<compile_context>
chip_gen: v7x
topology: tpu7x:2x2x1
jax: 0.10.2.dev20260603
libtpu: 0.0.44.dev20260713+nightly
codegen_flags: <defaults>
</compile_context>

<pallas_src>
import functools

import jax
import jax.numpy as jnp
from jax import lax
from jax.experimental import pallas as pl
from jax.experimental.pallas import tpu as pltpu
from jax.experimental.pallas import tpu_sc as plsc


def _argmin_body(z2_ref, c2_ref, z_ref, cb_ref, codes_ref, mind_ref, loss_ref):
    i = pl.program_id(0)
    j = pl.program_id(1)
    nj = pl.num_programs(1)
    kt = cb_ref.shape[0]
    bt = z_ref.shape[0]

    zm2 = z_ref[...] * -2.0
    z2 = z2_ref[...]
    mblk = min(1024, kt)
    dn = (((1,), (1,)), ((), ()))
    rmin = None
    garg = jnp.zeros((bt, 128), jnp.float32)
    for b in range(kt // mblk):
        mb = lax.dot_general(zm2, cb_ref[b * mblk:(b + 1) * mblk, :], dn,
                             preferred_element_type=jnp.float32)
        for gg in range(mblk // 128):
            g = b * (mblk // 128) + gg
            lo = g * 128
            d = (z2 + mb[:, gg * 128:(gg + 1) * 128]) + c2_ref[:, lo:lo + 128]
            if rmin is None:
                rmin = d
                continue
            better = d < rmin
            rmin = jnp.where(better, d, rmin)
            garg = jnp.where(better, float(g), garg)
    lmin = jnp.min(rmin, axis=1, keepdims=True)
    lane = lax.broadcasted_iota(jnp.int32, (bt, 128), 1).astype(jnp.float32)
    kf = garg * 128.0 + lane
    larg_f = jnp.min(jnp.where(rmin == lmin, kf, 3.0e38), axis=1, keepdims=True)
    larg = larg_f.astype(jnp.int32) + j * kt

    @pl.when(j == 0)
    def _():
        codes_ref[...] = larg
        mind_ref[...] = lmin

    @pl.when(j > 0)
    def _():
        better = lmin < mind_ref[...]
        codes_ref[...] = jnp.where(better, larg, codes_ref[...])
        mind_ref[...] = jnp.where(better, lmin, mind_ref[...])

    @pl.when(j == nj - 1)
    def _():
        part = jnp.sum(mind_ref[...])
        prev = jnp.where(i == 0, jnp.zeros((1, 1), jnp.float32), loss_ref[...])
        loss_ref[...] = prev + part


def _vq_argmin(z, codebook, z2, c2row):
    B, D = z.shape
    K = codebook.shape[0]
    bt = min(1024, B)
    kt = min(8192, K)
    return pl.pallas_call(
        _argmin_body,
        grid=(B // bt, K // kt),
        in_specs=[
            pl.BlockSpec((bt, 1), lambda i, j: (i, 0)),
            pl.BlockSpec((1, kt), lambda i, j: (0, j)),
            pl.BlockSpec((bt, D), lambda i, j: (i, 0)),
            pl.BlockSpec((kt, D), lambda i, j: (j, 0)),
        ],
        out_specs=[
            pl.BlockSpec((bt, 1), lambda i, j: (i, 0)),
            pl.BlockSpec((bt, 1), lambda i, j: (i, 0)),
            pl.BlockSpec((1, 1), lambda i, j: (0, 0)),
        ],
        out_shape=[
            jax.ShapeDtypeStruct((B, 1), jnp.int32),
            jax.ShapeDtypeStruct((B, 1), jnp.float32),
            jax.ShapeDtypeStruct((1, 1), jnp.float32),
        ],
    )(z2, c2row, z, codebook)


def _sc_gather(codebook, codes):
    B = codes.shape[0]
    K, D = codebook.shape
    info = plsc.get_sparse_core_info()
    nw = info.num_cores * info.num_subcores
    bw = B // nw
    chunk = min(128, bw)
    mesh = plsc.VectorSubcoreMesh(core_axis_name="c", subcore_axis_name="s")

    @functools.partial(
        pl.kernel,
        mesh=mesh,
        out_type=jax.ShapeDtypeStruct((B, D), jnp.float32),
        scratch_types=[
            pltpu.VMEM((bw,), jnp.int32),
            pltpu.VMEM((chunk, D), jnp.float32),
            pltpu.VMEM((chunk, D), jnp.float32),
            pltpu.SemaphoreType.DMA,
            pltpu.SemaphoreType.DMA,
        ],
    )
    def gk(cb_hbm, idx_hbm, out_hbm, idx_v, buf0, buf1, sem0, sem1):
        wid = lax.axis_index("s") * info.num_cores + lax.axis_index("c")
        base = wid * bw
        nch = bw // chunk
        bufs, sems, cps = (buf0, buf1), (sem0, sem1), [None, None]
        pltpu.sync_copy(idx_hbm.at[pl.ds(base, bw)], idx_v)
        cps[0] = pltpu.async_copy(cb_hbm.at[idx_v.at[pl.ds(0, chunk)]],
                                  buf0, sem0)
        for c in range(nch):
            n = c + 1
            if n < nch:
                cps[n % 2] = pltpu.async_copy(
                    cb_hbm.at[idx_v.at[pl.ds(n * chunk, chunk)]],
                    bufs[n % 2], sems[n % 2])
            cps[c % 2].wait()
            pltpu.sync_copy(bufs[c % 2], out_hbm.at[pl.ds(base + c * chunk, chunk)])

    return gk(codebook, codes)


def kernel(z, codebook):
    B, D = z.shape
    z2 = jnp.sum(z * z, axis=-1, keepdims=True)
    c2 = jnp.sum(codebook * codebook, axis=-1)
    codes2d, _mind, loss_sum = _vq_argmin(z, codebook, z2, c2[None, :])
    codes = codes2d[:, 0]
    quantized = _sc_gather(codebook, codes)
    commit_loss = 0.25 * (loss_sum[0, 0] / (B * D))
    return quantized, codes, commit_loss

# --- scband reference (transcript-rebuilt; emitter-appended) ---
"""Pipeline reference for scband-v9-style-codebook-16587163697601 (READ-ONLY COPY).

The authoritative reference and input builder live on the scoring server;
editing this copy changes nothing except your own understanding.
"""

import jax, jax.numpy as jnp
import numpy as np

CODEBOOK_SIZE = 8192
LATENT_DIM = 256
COMMITMENT_WEIGHT = 0.25
B_PHON = 16384


def setup_inputs(seed: int = 0) -> dict:
    key = jax.random.key(seed)
    k1, k2 = jax.random.split(key)
    z = jax.random.normal(k1, (B_PHON, LATENT_DIM), dtype=jnp.float32)
    # learned EMA codebook (no gradients flow to it in the torch module)
    codebook = jax.random.normal(k2, (CODEBOOK_SIZE, LATENT_DIM), dtype=jnp.float32)
    return {"z": z, "codebook": codebook}


def reference(z, codebook):
    # Faithful eval-mode VectorQuantize forward (euclidean distance, EMA codebook):
    #   dist(i, j) = ||z_i||^2 - 2 z_i . c_j + ||c_j||^2
    z2 = jnp.sum(z * z, axis=-1, keepdims=True)              # (B, 1)
    c2 = jnp.sum(codebook * codebook, axis=-1)               # (K,)
    dist = z2 - 2.0 * (z @ codebook.T) + c2[None, :]         # (B, K)
    codes = jnp.argmin(dist, axis=-1)                        # (B,)
    quantized = jnp.take(codebook, codes, axis=0)            # (B, d)
    # commitment loss: mse(stop_grad(quantized), z) * weight
    commit_loss = COMMITMENT_WEIGHT * jnp.mean((jax.lax.stop_gradient(quantized) - z) ** 2)
    # straight-through estimator
    quantized_st = z + jax.lax.stop_gradient(quantized - z)
    return quantized_st, codes, commit_loss

if __name__ == "__main__":
    import jax
    _d = setup_inputs()
    print(jax.jit(kernel)(*tuple(_d.values())))

</pallas_src>

<mosaic_0001>
#map = affine_map<(d0, d1) -> (0, 0)>
#map1 = affine_map<(d0, d1) -> (0)>
module attributes {stable_mosaic.version = 14 : i64} {
  func.func @gk(%arg0: i32, %arg1: i32, %arg2: memref<8192x256xf32, #tpu.memory_space<hbm>>, %arg3: memref<16384xi32, #tpu.memory_space<hbm>>, %arg4: memref<16384x256xf32, #tpu.memory_space<hbm>>, %arg5: memref<512xi32, #tpu.memory_space<vmem>>, %arg6: memref<128x256xf32, #tpu.memory_space<vmem>>, %arg7: memref<128x256xf32, #tpu.memory_space<vmem>>, %arg8: memref<!tpu.dma_semaphore, #tpu.memory_space<semaphore_mem>>, %arg9: memref<!tpu.dma_semaphore, #tpu.memory_space<semaphore_mem>>) attributes {dimension_semantics = [#tpu.dimension_semantics<core_parallel>, #tpu.dimension_semantics<subcore_parallel>], iteration_bounds = array<i64: 2, 16>, scalar_prefetch = 0 : i64, scratch_operands = 5 : i64, tpu.core_type = #tpu.core_type<sc_vector_subcore>, window_params = [{transform_indices = #map}, {transform_indices = #map1}, {transform_indices = #map}]} {
    %mul3A = arith.constant 2 : i32
    %mul3A_0 = arith.muli %arg1, %mul3A : i32
    %add3A = arith.addi %mul3A_0, %arg0 : i32
    %mul3A_1 = arith.constant 512 : i32
    %mul3A_2 = arith.muli %add3A, %mul3A_1 : i32
    "tpu.region"() ({
      %run_scoped3A = tpu.sem_alloc : memref<!tpu.dma_semaphore, #tpu.memory_space<semaphore_mem>>
      %dma_start3A_49 = tpu.memref_slice %arg3[%mul3A_2] : memref<16384xi32, #tpu.memory_space<hbm>> -> memref<512xi32, #tpu.memory_space<hbm>>
      %dma_start3A_50 = tpu.memref_slice %arg3[%mul3A_2] : memref<16384xi32, #tpu.memory_space<hbm>> -> memref<512xi32, #tpu.memory_space<hbm>>
      tpu.enqueue_dma source(%dma_start3A_50 : memref<512xi32, #tpu.memory_space<hbm>>) target(%arg5 : memref<512xi32, #tpu.memory_space<vmem>>) target_semaphore(%run_scoped3A : memref<!tpu.dma_semaphore, #tpu.memory_space<semaphore_mem>>)
      %dma_wait3A_51 = tpu.memref_slice %arg3[%mul3A_2] : memref<16384xi32, #tpu.memory_space<hbm>> -> memref<512xi32, #tpu.memory_space<hbm>>
      %dma_wait3A_52 = tpu.memref_slice %arg3[%mul3A_2] : memref<16384xi32, #tpu.memory_space<hbm>> -> memref<512xi32, #tpu.memory_space<hbm>>
      tpu.wait_dma2 semaphore(%run_scoped3A : memref<!tpu.dma_semaphore, #tpu.memory_space<semaphore_mem>>) src(%dma_wait3A_52 : memref<512xi32, #tpu.memory_space<hbm>>) dst(%arg5 : memref<512xi32, #tpu.memory_space<vmem>>)
      tpu.yield
    }) : () -> ()
    %dma_start3A = arith.constant 0 : i32
    %dma_start3A_3 = tpu.memref_slice %arg5[%dma_start3A] : memref<512xi32, #tpu.memory_space<vmem>> -> memref<128xi32, #tpu.memory_space<vmem>>
    %dma_start3A_4 = arith.constant 0 : i32
    %dma_start3A_5 = arith.constant 0 : i32
    %dma_start3A_6 = tpu.memref_slice %arg2[%dma_start3A_4, %dma_start3A_5] : memref<8192x256xf32, #tpu.memory_space<hbm>> -> memref<8192x256xf32, #tpu.memory_space<hbm>>
    tpu.enqueue_indirect_dma source(%dma_start3A_6 : memref<8192x256xf32, #tpu.memory_space<hbm>>) target(%arg6 : memref<128x256xf32, #tpu.memory_space<vmem>>) offsets(%dma_start3A_3 : memref<128xi32, #tpu.memory_space<vmem>>) semaphore(%arg8 : memref<!tpu.dma_semaphore, #tpu.memory_space<semaphore_mem>>)
    %dma_start3A_7 = arith.constant 128 : i32
    %dma_start3A_8 = tpu.memref_slice %arg5[%dma_start3A_7] : memref<512xi32, #tpu.memory_space<vmem>> -> memref<128xi32, #tpu.memory_space<vmem>>
    %dma_start3A_9 = arith.constant 0 : i32
    %dma_start3A_10 = arith.constant 0 : i32
    %dma_start3A_11 = tpu.memref_slice %arg2[%dma_start3A_9, %dma_start3A_10] : memref<8192x256xf32, #tpu.memory_space<hbm>> -> memref<8192x256xf32, #tpu.memory_space<hbm>>
    tpu.enqueue_indirect_dma source(%dma_start3A_11 : memref<8192x256xf32, #tpu.memory_space<hbm>>) target(%arg7 : memref<128x256xf32, #tpu.memory_space<vmem>>) offsets(%dma_start3A_8 : memref<128xi32, #tpu.memory_space<vmem>>) semaphore(%arg9 : memref<!tpu.dma_semaphore, #tpu.memory_space<semaphore_mem>>)
    %dma_wait3A = arith.constant 0 : i32
    %dma_wait3A_12 = tpu.memref_slice %arg5[%dma_wait3A] : memref<512xi32, #tpu.memory_space<vmem>> -> memref<128xi32, #tpu.memory_space<vmem>>
    %dma_wait3A_13 = arith.constant 0 : i32
    %dma_wait3A_14 = arith.constant 0 : i32
    %dma_wait3A_15 = tpu.memref_slice %arg2[%dma_wait3A_13, %dma_wait3A_14] : memref<8192x256xf32, #tpu.memory_space<hbm>> -> memref<8192x256xf32, #tpu.memory_space<hbm>>
    tpu.wait_indirect_dma semaphore(%arg8 : memref<!tpu.dma_semaphore, #tpu.memory_space<semaphore_mem>>) src(%dma_wait3A_15 : memref<8192x256xf32, #tpu.memory_space<hbm>>) dst(%arg6 : memref<128x256xf32, #tpu.memory_space<vmem>>)
    %add3A_16 = arith.constant 0 : i32
    %add3A_17 = arith.addi %mul3A_2, %add3A_16 : i32
    "tpu.region"() ({
      %run_scoped3A = tpu.sem_alloc : memref<!tpu.dma_semaphore, #tpu.memory_space<semaphore_mem>>
      %dma_start3A_49 = arith.constant 0 : i32
      %dma_start3A_50 = tpu.memref_slice %arg4[%add3A_17, %dma_start3A_49] : memref<16384x256xf32, #tpu.memory_space<hbm>> -> memref<128x256xf32, #tpu.memory_space<hbm>>
      %dma_start3A_51 = arith.constant 0 : i32
      %dma_start3A_52 = tpu.memref_slice %arg4[%add3A_17, %dma_start3A_51] : memref<16384x256xf32, #tpu.memory_space<hbm>> -> memref<128x256xf32, #tpu.memory_space<hbm>>
      tpu.enqueue_dma source(%arg6 : memref<128x256xf32, #tpu.memory_space<vmem>>) target(%dma_start3A_52 : memref<128x256xf32, #tpu.memory_space<hbm>>) target_semaphore(%run_scoped3A : memref<!tpu.dma_semaphore, #tpu.memory_space<semaphore_mem>>)
      %dma_wait3A_53 = arith.constant 0 : i32
      %dma_wait3A_54 = tpu.memref_slice %arg4[%add3A_17, %dma_wait3A_53] : memref<16384x256xf32, #tpu.memory_space<hbm>> -> memref<128x256xf32, #tpu.memory_space<hbm>>
      %dma_wait3A_55 = arith.constant 0 : i32
      %dma_wait3A_56 = tpu.memref_slice %arg4[%add3A_17, %dma_wait3A_55] : memref<16384x256xf32, #tpu.memory_space<hbm>> -> memref<128x256xf32, #tpu.memory_space<hbm>>
      tpu.wait_dma2 semaphore(%run_scoped3A : memref<!tpu.dma_semaphore, #tpu.memory_space<semaphore_mem>>) src(%arg6 : memref<128x256xf32, #tpu.memory_space<vmem>>) dst(%dma_wait3A_56 : memref<128x256xf32, #tpu.memory_space<hbm>>)
      tpu.yield
    }) : () -> ()
    %dma_start3A_18 = arith.constant 256 : i32
    %dma_start3A_19 = tpu.memref_slice %arg5[%dma_start3A_18] : memref<512xi32, #tpu.memory_space<vmem>> -> memref<128xi32, #tpu.memory_space<vmem>>
    %dma_start3A_20 = arith.constant 0 : i32
    %dma_start3A_21 = arith.constant 0 : i32
    %dma_start3A_22 = tpu.memref_slice %arg2[%dma_start3A_20, %dma_start3A_21] : memref<8192x256xf32, #tpu.memory_space<hbm>> -> memref<8192x256xf32, #tpu.memory_space<hbm>>
    tpu.enqueue_indirect_dma source(%dma_start3A_22 : memref<8192x256xf32, #tpu.memory_space<hbm>>) target(%arg6 : memref<128x256xf32, #tpu.memory_space<vmem>>) offsets(%dma_start3A_19 : memref<128xi32, #tpu.memory_space<vmem>>) semaphore(%arg8 : memref<!tpu.dma_semaphore, #tpu.memory_space<semaphore_mem>>)
    %dma_wait3A_23 = arith.constant 128 : i32
    %dma_wait3A_24 = tpu.memref_slice %arg5[%dma_wait3A_23] : memref<512xi32, #tpu.memory_space<vmem>> -> memref<128xi32, #tpu.memory_space<vmem>>
    %dma_wait3A_25 = arith.constant 0 : i32
    %dma_wait3A_26 = arith.constant 0 : i32
    %dma_wait3A_27 = tpu.memref_slice %arg2[%dma_wait3A_25, %dma_wait3A_26] : memref<8192x256xf32, #tpu.memory_space<hbm>> -> memref<8192x256xf32, #tpu.memory_space<hbm>>
    tpu.wait_indirect_dma semaphore(%arg9 : memref<!tpu.dma_semaphore, #tpu.memory_space<semaphore_mem>>) src(%dma_wait3A_27 : memref<8192x256xf32, #tpu.memory_space<hbm>>) dst(%arg7 : memref<128x256xf32, #tpu.memory_space<vmem>>)
    %add3A_28 = arith.constant 128 : i32
    %add3A_29 = arith.addi %mul3A_2, %add3A_28 : i32
    "tpu.region"() ({
      %run_scoped3A = tpu.sem_alloc : memref<!tpu.dma_semaphore, #tpu.memory_space<semaphore_mem>>
      %dma_start3A_49 = arith.constant 0 : i32
      %dma_start3A_50 = tpu.memref_slice %arg4[%add3A_29, %dma_start3A_49] : memref<16384x256xf32, #tpu.memory_space<hbm>> -> memref<128x256xf32, #tpu.memory_space<hbm>>
      %dma_start3A_51 = arith.constant 0 : i32
      %dma_start3A_52 = tpu.memref_slice %arg4[%add3A_29, %dma_start3A_51] : memref<16384x256xf32, #tpu.memory_space<hbm>> -> memref<128x256xf32, #tpu.memory_space<hbm>>
      tpu.enqueue_dma source(%arg7 : memref<128x256xf32, #tpu.memory_space<vmem>>) target(%dma_start3A_52 : memref<128x256xf32, #tpu.memory_space<hbm>>) target_semaphore(%run_scoped3A : memref<!tpu.dma_semaphore, #tpu.memory_space<semaphore_mem>>)
      %dma_wait3A_53 = arith.constant 0 : i32
      %dma_wait3A_54 = tpu.memref_slice %arg4[%add3A_29, %dma_wait3A_53] : memref<16384x256xf32, #tpu.memory_space<hbm>> -> memref<128x256xf32, #tpu.memory_space<hbm>>
      %dma_wait3A_55 = arith.constant 0 : i32
      %dma_wait3A_56 = tpu.memref_slice %arg4[%add3A_29, %dma_wait3A_55] : memref<16384x256xf32, #tpu.memory_space<hbm>> -> memref<128x256xf32, #tpu.memory_space<hbm>>
      tpu.wait_dma2 semaphore(%run_scoped3A : memref<!tpu.dma_semaphore, #tpu.memory_space<semaphore_mem>>) src(%arg7 : memref<128x256xf32, #tpu.memory_space<vmem>>) dst(%dma_wait3A_56 : memref<128x256xf32, #tpu.memory_space<hbm>>)
      tpu.yield
    }) : () -> ()
    %dma_start3A_30 = arith.constant 384 : i32
    %dma_start3A_31 = tpu.memref_slice %arg5[%dma_start3A_30] : memref<512xi32, #tpu.memory_space<vmem>> -> memref<128xi32, #tpu.memory_space<vmem>>
    %dma_start3A_32 = arith.constant 0 : i32
    %dma_start3A_33 = arith.constant 0 : i32
    %dma_start3A_34 = tpu.memref_slice %arg2[%dma_start3A_32, %dma_start3A_33] : memref<8192x256xf32, #tpu.memory_space<hbm>> -> memref<8192x256xf32, #tpu.memory_space<hbm>>
    tpu.enqueue_indirect_dma source(%dma_start3A_34 : memref<8192x256xf32, #tpu.memory_space<hbm>>) target(%arg7 : memref<128x256xf32, #tpu.memory_space<vmem>>) offsets(%dma_start3A_31 : memref<128xi32, #tpu.memory_space<vmem>>) semaphore(%arg9 : memref<!tpu.dma_semaphore, #tpu.memory_space<semaphore_mem>>)
    %dma_wait3A_35 = arith.constant 256 : i32
    %dma_wait3A_36 = tpu.memref_slice %arg5[%dma_wait3A_35] : memref<512xi32, #tpu.memory_space<vmem>> -> memref<128xi32, #tpu.memory_space<vmem>>
    %dma_wait3A_37 = arith.constant 0 : i32
    %dma_wait3A_38 = arith.constant 0 : i32
    %dma_wait3A_39 = tpu.memref_slice %arg2[%dma_wait3A_37, %dma_wait3A_38] : memref<8192x256xf32, #tpu.memory_space<hbm>> -> memref<8192x256xf32, #tpu.memory_space<hbm>>
    tpu.wait_indirect_dma semaphore(%arg8 : memref<!tpu.dma_semaphore, #tpu.memory_space<semaphore_mem>>) src(%dma_wait3A_39 : memref<8192x256xf32, #tpu.memory_space<hbm>>) dst(%arg6 : memref<128x256xf32, #tpu.memory_space<vmem>>)
    %add3A_40 = arith.constant 256 : i32
    %add3A_41 = arith.addi %mul3A_2, %add3A_40 : i32
    "tpu.region"() ({
      %run_scoped3A = tpu.sem_alloc : memref<!tpu.dma_semaphore, #tpu.memory_space<semaphore_mem>>
      %dma_start3A_49 = arith.constant 0 : i32
      %dma_start3A_50 = tpu.memref_slice %arg4[%add3A_41, %dma_start3A_49] : memref<16384x256xf32, #tpu.memory_space<hbm>> -> memref<128x256xf32, #tpu.memory_space<hbm>>
      %dma_start3A_51 = arith.constant 0 : i32
      %dma_start3A_52 = tpu.memref_slice %arg4[%add3A_41, %dma_start3A_51] : memref<16384x256xf32, #tpu.memory_space<hbm>> -> memref<128x256xf32, #tpu.memory_space<hbm>>
      tpu.enqueue_dma source(%arg6 : memref<128x256xf32, #tpu.memory_space<vmem>>) target(%dma_start3A_52 : memref<128x256xf32, #tpu.memory_space<hbm>>) target_semaphore(%run_scoped3A : memref<!tpu.dma_semaphore, #tpu.memory_space<semaphore_mem>>)
      %dma_wait3A_53 = arith.constant 0 : i32
      %dma_wait3A_54 = tpu.memref_slice %arg4[%add3A_41, %dma_wait3A_53] : memref<16384x256xf32, #tpu.memory_space<hbm>> -> memref<128x256xf32, #tpu.memory_space<hbm>>
      %dma_wait3A_55 = arith.constant 0 : i32
      %dma_wait3A_56 = tpu.memref_slice %arg4[%add3A_41, %dma_wait3A_55] : memref<16384x256xf32, #tpu.memory_space<hbm>> -> memref<128x256xf32, #tpu.memory_space<hbm>>
      tpu.wait_dma2 semaphore(%run_scoped3A : memref<!tpu.dma_semaphore, #tpu.memory_space<semaphore_mem>>) src(%arg6 : memref<128x256xf32, #tpu.memory_space<vmem>>) dst(%dma_wait3A_56 : memref<128x256xf32, #tpu.memory_space<hbm>>)
      tpu.yield
    }) : () -> ()
    %dma_wait3A_42 = arith.constant 384 : i32
    %dma_wait3A_43 = tpu.memref_slice %arg5[%dma_wait3A_42] : memref<512xi32, #tpu.memory_space<vmem>> -> memref<128xi32, #tpu.memory_space<vmem>>
    %dma_wait3A_44 = arith.constant 0 : i32
    %dma_wait3A_45 = arith.constant 0 : i32
    %dma_wait3A_46 = tpu.memref_slice %arg2[%dma_wait3A_44, %dma_wait3A_45] : memref<8192x256xf32, #tpu.memory_space<hbm>> -> memref<8192x256xf32, #tpu.memory_space<hbm>>
    tpu.wait_indirect_dma semaphore(%arg9 : memref<!tpu.dma_semaphore, #tpu.memory_space<semaphore_mem>>) src(%dma_wait3A_46 : memref<8192x256xf32, #tpu.memory_space<hbm>>) dst(%arg7 : memref<128x256xf32, #tpu.memory_space<vmem>>)
    %add3A_47 = arith.constant 384 : i32
    %add3A_48 = arith.addi %mul3A_2, %add3A_47 : i32
    "tpu.region"() ({
      %run_scoped3A = tpu.sem_alloc : memref<!tpu.dma_semaphore, #tpu.memory_space<semaphore_mem>>
      %dma_start3A_49 = arith.constant 0 : i32
      %dma_start3A_50 = tpu.memref_slice %arg4[%add3A_48, %dma_start3A_49] : memref<16384x256xf32, #tpu.memory_space<hbm>> -> memref<128x256xf32, #tpu.memory_space<hbm>>
      %dma_start3A_51 = arith.constant 0 : i32
      %dma_start3A_52 = tpu.memref_slice %arg4[%add3A_48, %dma_start3A_51] : memref<16384x256xf32, #tpu.memory_space<hbm>> -> memref<128x256xf32, #tpu.memory_space<hbm>>
      tpu.enqueue_dma source(%arg7 : memref<128x256xf32, #tpu.memory_space<vmem>>) target(%dma_start3A_52 : memref<128x256xf32, #tpu.memory_space<hbm>>) target_semaphore(%run_scoped3A : memref<!tpu.dma_semaphore, #tpu.memory_space<semaphore_mem>>)
      %dma_wait3A_53 = arith.constant 0 : i32
      %dma_wait3A_54 = tpu.memref_slice %arg4[%add3A_48, %dma_wait3A_53] : memref<16384x256xf32, #tpu.memory_space<hbm>> -> memref<128x256xf32, #tpu.memory_space<hbm>>
      %dma_wait3A_55 = arith.constant 0 : i32
      %dma_wait3A_56 = tpu.memref_slice %arg4[%add3A_48, %dma_wait3A_55] : memref<16384x256xf32, #tpu.memory_space<hbm>> -> memref<128x256xf32, #tpu.memory_space<hbm>>
      tpu.wait_dma2 semaphore(%run_scoped3A : memref<!tpu.dma_semaphore, #tpu.memory_space<semaphore_mem>>) src(%arg7 : memref<128x256xf32, #tpu.memory_space<vmem>>) dst(%dma_wait3A_56 : memref<128x256xf32, #tpu.memory_space<hbm>>)
      tpu.yield
    }) : () -> ()
    return
  }
}

module attributes {stable_mosaic.version = 14 : i64} {
  func.func @_argmin_body(%arg0: i32, %arg1: i32, %arg2: memref<1024x1xf32, #tpu.memory_space<vmem>>, %arg3: memref<1x8192xf32, #tpu.memory_space<vmem>>, %arg4: memref<1024x256xf32, #tpu.memory_space<vmem>>, %arg5: memref<8192x256xf32, #tpu.memory_space<vmem>>, %arg6: memref<1024x1xi32, #tpu.memory_space<vmem>>, %arg7: memref<1024x1xf32, #tpu.memory_space<vmem>>, %arg8: memref<1x1xf32, #tpu.memory_space<vmem>>) attributes {dimension_semantics = [#tpu.dimension_semantics<arbitrary>, #tpu.dimension_semantics<arbitrary>], iteration_bounds = array<i64: 16, 1>, scalar_prefetch = 0 : i64, scratch_operands = 0 : i64, tpu.core_type = #tpu.core_type<tc>, window_params = [{transform_indices = @transform_0, window_bounds = array<i64: 1024, 1>}, {transform_indices = @transform_1, window_bounds = array<i64: 1, 8192>}, {transform_indices = @transform_2, window_bounds = array<i64: 1024, 256>}, {transform_indices = @transform_3, window_bounds = array<i64: 8192, 256>}, {transform_indices = @transform_4, window_bounds = array<i64: 1024, 1>}, {transform_indices = @transform_5, window_bounds = array<i64: 1024, 1>}, {pipeline_mode = #tpu.pipeline_mode<synchronous>, transform_indices = @transform_6, window_bounds = array<i64: 1, 1>}]} {
    %get3A = arith.constant 0 : index
    %get3A_0 = arith.constant 0 : index
    %get3A_1 = vector.load %arg4[%get3A, %get3A_0] : memref<1024x256xf32, #tpu.memory_space<vmem>>, vector<1024x256xf32>
    %mul3A = arith.constant -2.000000e+00 : f32
    %mul3A_2 = vector.broadcast %mul3A : f32 to vector<1024x256xf32>
    %mul3A_3 = arith.mulf %get3A_1, %mul3A_2 : vector<1024x256xf32>
    %get3A_4 = arith.constant 0 : index
    %get3A_5 = arith.constant 0 : index
    %get3A_6 = vector.load %arg2[%get3A_4, %get3A_5] : memref<1024x1xf32, #tpu.memory_space<vmem>>, vector<1024x1xf32>
    %broadcast_in_dim3A = arith.constant 0.000000e+00 : f32
    %broadcast_in_dim3A_7 = vector.broadcast %broadcast_in_dim3A : f32 to vector<1024x128xf32>
    %get3A_8 = arith.constant 0 : index
    %get3A_9 = arith.constant 0 : index
    %get3A_10 = vector.load %arg5[%get3A_8, %get3A_9] : memref<8192x256xf32, #tpu.memory_space<vmem>>, vector<1024x256xf32>
    %dot_general3A = arith.constant dense<0.000000e+00> : vector<1024x1024xf32>
    %dot_general3A_11 = tpu.matmul %mul3A_3, %get3A_10, %dot_general3A {dimension_numbers = #tpu.dot_dimension_numbers<[1], [1], [0], [0], [0, 0, 1, 0], [], []>, transpose_lhs_hint = false} : vector<1024x256xf32>, vector<1024x256xf32>, vector<1024x1024xf32> -> vector<1024x1024xf32>
    %slice3A = vector.extract_strided_slice %dot_general3A_11 {offsets = [0, 0], sizes = [1024, 128], strides = [1, 1]} : vector<1024x1024xf32> to vector<1024x128xf32>
    %add3A = vector.broadcast %get3A_6 : vector<1024x1xf32> to vector<1024x128xf32>
    %add3A_12 = arith.addf %add3A, %slice3A : vector<1024x128xf32>
    %get3A_13 = arith.constant 0 : index
    %get3A_14 = arith.constant 0 : index
    %get3A_15 = vector.load %arg3[%get3A_13, %get3A_14] : memref<1x8192xf32, #tpu.memory_space<vmem>>, vector<1x128xf32>
    %add3A_16 = vector.broadcast %get3A_15 : vector<1x128xf32> to vector<1024x128xf32>
    %add3A_17 = arith.addf %add3A_12, %add3A_16 : vector<1024x128xf32>
    %slice3A_18 = vector.extract_strided_slice %dot_general3A_11 {offsets = [0, 128], sizes = [1024, 128], strides = [1, 1]} : vector<1024x1024xf32> to vector<1024x128xf32>
    %add3A_19 = vector.broadcast %get3A_6 : vector<1024x1xf32> to vector<1024x128xf32>
    %add3A_20 = arith.addf %add3A_19, %slice3A_18 : vector<1024x128xf32>
    %get3A_21 = arith.constant 0 : index
    %get3A_22 = arith.constant 128 : index
    %get3A_23 = vector.load %arg3[%get3A_21, %get3A_22] : memref<1x8192xf32, #tpu.memory_space<vmem>>, vector<1x128xf32>
    %add3A_24 = vector.broadcast %get3A_23 : vector<1x128xf32> to vector<1024x128xf32>
    %add3A_25 = arith.addf %add3A_20, %add3A_24 : vector<1024x128xf32>
    %lt3A = arith.cmpf olt, %add3A_25, %add3A_17 : vector<1024x128xf32>
    %select_n3A = arith.select %lt3A, %add3A_25, %add3A_17 : vector<1024x128xi1>, vector<1024x128xf32>
    %jit3A = arith.constant 1.000000e+00 : f32
    %broadcast_in_dim3A_26 = vector.broadcast %jit3A : f32 to vector<1024x128xf32>
    %select_n3A_27 = arith.select %lt3A, %broadcast_in_dim3A_26, %broadcast_in_dim3A_7 : vector<1024x128xi1>, vector<1024x128xf32>
    %slice3A_28 = vector.extract_strided_slice %dot_general3A_11 {offsets = [0, 256], sizes = [1024, 128], strides = [1, 1]} : vector<1024x1024xf32> to vector<1024x128xf32>
    %add3A_29 = vector.broadcast %get3A_6 : vector<1024x1xf32> to vector<1024x128xf32>
    %add3A_30 = arith.addf %add3A_29, %slice3A_28 : vector<1024x128xf32>
    %get3A_31 = arith.constant 0 : index
    %get3A_32 = arith.constant 256 : index
    %get3A_33 = vector.load %arg3[%get3A_31, %get3A_32] : memref<1x8192xf32, #tpu.memory_space<vmem>>, vector<1x128xf32>
    %add3A_34 = vector.broadcast %get3A_33 : vector<1x128xf32> to vector<1024x128xf32>
    %add3A_35 = arith.addf %add3A_30, %add3A_34 : vector<1024x128xf32>
    %lt3A_36 = arith.cmpf olt, %add3A_35, %select_n3A : vector<1024x128xf32>
    %select_n3A_37 = arith.select %lt3A_36, %add3A_35, %select_n3A : vector<1024x128xi1>, vector<1024x128xf32>
    %jit3A_38 = arith.constant 2.000000e+00 : f32
    %broadcast_in_dim3A_39 = vector.broadcast %jit3A_38 : f32 to vector<1024x128xf32>
    %select_n3A_40 = arith.select %lt3A_36, %broadcast_in_dim3A_39, %select_n3A_27 : vector<1024x128xi1>, vector<1024x128xf32>
    %slice3A_41 = vector.extract_strided_slice %dot_general3A_11 {offsets = [0, 384], sizes = [1024, 128], strides = [1, 1]} : vector<1024x1024xf32> to vector<1024x128xf32>
    %add3A_42 = vector.broadcast %get3A_6 : vector<1024x1xf32> to vector<1024x128xf32>
    %add3A_43 = arith.addf %add3A_42, %slice3A_41 : vector<1024x128xf32>
    %get3A_44 = arith.constant 0 : index
    %get3A_45 = arith.constant 384 : index
    %get3A_46 = vector.load %arg3[%get3A_44, %get3A_45] : memref<1x8192xf32, #tpu.memory_space<vmem>>, vector<1x128xf32>
    %add3A_47 = vector.broadcast %get3A_46 : vector<1x128xf32> to vector<1024x128xf32>
    %add3A_48 = arith.addf %add3A_43, %add3A_47 : vector<1024x128xf32>
    %lt3A_49 = arith.cmpf olt, %add3A_48, %select_n3A_37 : vector<1024x128xf32>
    %select_n3A_50 = arith.select %lt3A_49, %add3A_48, %select_n3A_37 : vector<1024x128xi1>, vector<1024x128xf32>
    %jit3A_51 = arith.constant 3.000000e+00 : f32
    %broadcast_in_dim3A_52 = vector.broadcast %jit3A_51 : f32 to vector<1024x128xf32>
    %select_n3A_53 = arith.select %lt3A_49, %broadcast_in_dim3A_52, %select_n3A_40 : vector<1024x128xi1>, vector<1024x128xf32>
    %slice3A_54 = vector.extract_strided_slice %dot_general3A_11 {offsets = [0, 512], sizes = [1024, 128], strides = [1, 1]} : vector<1024x1024xf32> to vector<1024x128xf32>
    %add3A_55 = vector.broadcast %get3A_6 : vector<1024x1xf32> to vector<1024x128xf32>
    %add3A_56 = arith.addf %add3A_55, %slice3A_54 : vector<1024x128xf32>
    %get3A_57 = arith.constant 0 : index
    %get3A_58 = arith.constant 512 : index
    %get3A_59 = vector.load %arg3[%get3A_57, %get3A_58] : memref<1x8192xf32, #tpu.memory_space<vmem>>, vector<1x128xf32>
    %add3A_60 = vector.broadcast %get3A_59 : vector<1x128xf32> to vector<1024x128xf32>
    %add3A_61 = arith.addf %add3A_56, %add3A_60 : vector<1024x128xf32>
    %lt3A_62 = arith.cmpf olt, %add3A_61, %select_n3A_50 : vector<1024x128xf32>
    %select_n3A_63 = arith.select %lt3A_62, %add3A_61, %select_n3A_50 : vector<1024x128xi1>, vector<1024x128xf32>
    %jit3A_64 = arith.constant 4.000000e+00 : f32
    %broadcast_in_dim3A_65 = vector.broadcast %jit3A_64 : f32 to vector<1024x128xf32>
    %select_n3A_66 = arith.select %lt3A_62, %broadcast_in_dim3A_65, %select_n3A_53 : vector<1024x128xi1>, vector<1024x128xf32>
    %slice3A_67 = vector.extract_strided_slice %dot_general3A_11 {offsets = [0, 640], sizes = [1024, 128], strides = [1, 1]} : vector<1024x1024xf32> to vector<1024x128xf32>
    %add3A_68 = vector.broadcast %get3A_6 : vector<1024x1xf32> to vector<1024x128xf32>
    %add3A_69 = arith.addf %add3A_68, %slice3A_67 : vector<1024x128xf32>
    %get3A_70 = arith.constant 0 : index
    %get3A_71 = arith.constant 640 : index
    %get3A_72 = vector.load %arg3[%get3A_70, %get3A_71] : memref<1x8192xf32, #tpu.memory_space<vmem>>, vector<1x128xf32>
    %add3A_73 = vector.broadcast %get3A_72 : vector<1x128xf32> to vector<1024x128xf32>
    %add3A_74 = arith.addf %add3A_69, %add3A_73 : vector<1024x128xf32>
    %lt3A_75 = arith.cmpf olt, %add3A_74, %select_n3A_63 : vector<1024x128xf32>
    %select_n3A_76 = arith.select %lt3A_75, %add3A_74, %select_n3A_63 : vector<1024x128xi1>, vector<1024x128xf32>
    %jit3A_77 = arith.constant 5.000000e+00 : f32
    %broadcast_in_dim3A_78 = vector.broadcast %jit3A_77 : f32 to vector<1024x128xf32>
    %select_n3A_79 = arith.select %lt3A_75, %broadcast_in_dim3A_78, %select_n3A_66 : vector<1024x128xi1>, vector<1024x128xf32>
    %slice3A_80 = vector.extract_strided_slice %dot_general3A_11 {offsets = [0, 768], sizes = [1024, 128], strides = [1, 1]} : vector<1024x1024xf32> to vector<1024x128xf32>
    %add3A_81 = vector.broadcast %get3A_6 : vector<1024x1xf32> to vector<1024x128xf32>
    %add3A_82 = arith.addf %add3A_81, %slice3A_80 : vector<1024x128xf32>
    %get3A_83 = arith.constant 0 : index
    %get3A_84 = arith.constant 768 : index
    %get3A_85 = vector.load %arg3[%get3A_83, %get3A_84] : memref<1x8192xf32, #tpu.memory_space<vmem>>, vector<1x128xf32>
    %add3A_86 = vector.broadcast %get3A_85 : vector<1x128xf32> to vector<1024x128xf32>
    %add3A_87 = arith.addf %add3A_82, %add3A_86 : vector<1024x128xf32>
    %lt3A_88 = arith.cmpf olt, %add3A_87, %select_n3A_76 : vector<1024x128xf32>
    %select_n3A_89 = arith.select %lt3A_88, %add3A_87, %select_n3A_76 : vector<1024x128xi1>, vector<1024x128xf32>
    %jit3A_90 = arith.constant 6.000000e+00 : f32
    %broadcast_in_dim3A_91 = vector.broadcast %jit3A_90 : f32 to vector<1024x128xf32>
    %select_n3A_92 = arith.select %lt3A_88, %broadcast_in_dim3A_91, %select_n3A_79 : vector<1024x128xi1>, vector<1024x128xf32>
    %slice3A_93 = vector.extract_strided_slice %dot_general3A_11 {offsets = [0, 896], sizes = [1024, 128], strides = [1, 1]} : vector<1024x1024xf32> to vector<1024x128xf32>
    %add3A_94 = vector.broadcast %get3A_6 : vector<1024x1xf32> to vector<1024x128xf32>
    %add3A_95 = arith.addf %add3A_94, %slice3A_93 : vector<1024x128xf32>
    %get3A_96 = arith.constant 0 : index
    %get3A_97 = arith.constant 896 : index
    %get3A_98 = vector.load %arg3[%get3A_96, %get3A_97] : memref<1x8192xf32, #tpu.memory_space<vmem>>, vector<1x128xf32>
    %add3A_99 = vector.broadcast %get3A_98 : vector<1x128xf32> to vector<1024x128xf32>
    %add3A_100 = arith.addf %add3A_95, %add3A_99 : vector<1024x128xf32>
    %lt3A_101 = arith.cmpf olt, %add3A_100, %select_n3A_89 : vector<1024x128xf32>
    %select_n3A_102 = arith.select %lt3A_101, %add3A_100, %select_n3A_89 : vector<1024x128xi1>, vector<1024x128xf32>
    %jit3A_103 = arith.constant 7.000000e+00 : f32
    %broadcast_in_dim3A_104 = vector.broadcast %jit3A_103 : f32 to vector<1024x128xf32>
    %select_n3A_105 = arith.select %lt3A_101, %broadcast_in_dim3A_104, %select_n3A_92 : vector<1024x128xi1>, vector<1024x128xf32>
    %get3A_106 = arith.constant 1024 : index
    %get3A_107 = arith.constant 0 : index
    %get3A_108 = vector.load %arg5[%get3A_106, %get3A_107] : memref<8192x256xf32, #tpu.memory_space<vmem>>, vector<1024x256xf32>
    %dot_general3A_109 = arith.constant dense<0.000000e+00> : vector<1024x1024xf32>
    %dot_general3A_110 = tpu.matmul %mul3A_3, %get3A_108, %dot_general3A_109 {dimension_numbers = #tpu.dot_dimension_numbers<[1], [1], [0], [0], [0, 0, 1, 0], [], []>, transpose_lhs_hint = false} : vector<1024x256xf32>, vector<1024x256xf32>, vector<1024x1024xf32> -> vector<1024x1024xf32>
    %slice3A_111 = vector.extract_strided_slice %dot_general3A_110 {offsets = [0, 0], sizes = [1024, 128], strides = [1, 1]} : vector<1024x1024xf32> to vector<1024x128xf32>
    %add3A_112 = vector.broadcast %get3A_6 : vector<1024x1xf32> to vector<1024x128xf32>
    %add3A_113 = arith.addf %add3A_112, %slice3A_111 : vector<1024x128xf32>
    %get3A_114 = arith.constant 0 : index
    %get3A_115 = arith.constant 1024 : index
    %get3A_116 = vector.load %arg3[%get3A_114, %get3A_115] : memref<1x8192xf32, #tpu.memory_space<vmem>>, vector<1x128xf32>
    %add3A_117 = vector.broadcast %get3A_116 : vector<1x128xf32> to vector<1024x128xf32>
    %add3A_118 = arith.addf %add3A_113, %add3A_117 : vector<1024x128xf32>
    %lt3A_119 = arith.cmpf olt, %add3A_118, %select_n3A_102 : vector<1024x128xf32>
    %select_n3A_120 = arith.select %lt3A_119, %add3A_118, %select_n3A_102 : vector<1024x128xi1>, vector<1024x128xf32>
    %jit3A_121 = arith.constant 8.000000e+00 : f32
    %broadcast_in_dim3A_122 = vector.broadcast %jit3A_121 : f32 to vector<1024x128xf32>
    %select_n3A_123 = arith.select %lt3A_119, %broadcast_in_dim3A_122, %select_n3A_105 : vector<1024x128xi1>, vector<1024x128xf32>
    %slice3A_124 = vector.extract_strided_slice %dot_general3A_110 {offsets = [0, 128], sizes = [1024, 128], strides = [1, 1]} : vector<1024x1024xf32> to vector<1024x128xf32>
    %add3A_125 = vector.broadcast %get3A_6 : vector<1024x1xf32> to vector<1024x128xf32>
    %add3A_126 = arith.addf %add3A_125, %slice3A_124 : vector<1024x128xf32>
    %get3A_127 = arith.constant 0 : index
    %get3A_128 = arith.constant 1152 : index
    %get3A_129 = vector.load %arg3[%get3A_127, %get3A_128] : memref<1x8192xf32, #tpu.memory_space<vmem>>, vector<1x128xf32>
    %add3A_130 = vector.broadcast %get3A_129 : vector<1x128xf32> to vector<1024x128xf32>
    %add3A_131 = arith.addf %add3A_126, %add3A_130 : vector<1024x128xf32>
    %lt3A_132 = arith.cmpf olt, %add3A_131, %select_n3A_120 : vector<1024x128xf32>
    %select_n3A_133 = arith.select %lt3A_132, %add3A_131, %select_n3A_120 : vector<1024x128xi1>, vector<1024x128xf32>
    %jit3A_134 = arith.constant 9.000000e+00 : f32
    %broadcast_in_dim3A_135 = vector.broadcast %jit3A_134 : f32 to vector<1024x128xf32>
    %select_n3A_136 = arith.select %lt3A_132, %broadcast_in_dim3A_135, %select_n3A_123 : vector<1024x128xi1>, vector<1024x128xf32>
    %slice3A_137 = vector.extract_strided_slice %dot_general3A_110 {offsets = [0, 256], sizes = [1024, 128], strides = [1, 1]} : vector<1024x1024xf32> to vector<1024x128xf32>
    %add3A_138 = vector.broadcast %get3A_6 : vector<1024x1xf32> to vector<1024x128xf32>
    %add3A_139 = arith.addf %add3A_138, %slice3A_137 : vector<1024x128xf32>
    %get3A_140 = arith.constant 0 : index
    %get3A_141 = arith.constant 1280 : index
    %get3A_142 = vector.load %arg3[%get3A_140, %get3A_141] : memref<1x8192xf32, #tpu.memory_space<vmem>>, vector<1x128xf32>
    %add3A_143 = vector.broadcast %get3A_142 : vector<1x128xf32> to vector<1024x128xf32>
    %add3A_144 = arith.addf %add3A_139, %add3A_143 : vector<1024x128xf32>
    %lt3A_145 = arith.cmpf olt, %add3A_144, %select_n3A_133 : vector<1024x128xf32>
    %select_n3A_146 = arith.select %lt3A_145, %add3A_144, %select_n3A_133 : vector<1024x128xi1>, vector<1024x128xf32>
    %jit3A_147 = arith.constant 1.000000e+01 : f32
    %broadcast_in_dim3A_148 = vector.broadcast %jit3A_147 : f32 to vector<1024x128xf32>
    %select_n3A_149 = arith.select %lt3A_145, %broadcast_in_dim3A_148, %select_n3A_136 : vector<1024x128xi1>, vector<1024x128xf32>
    %slice3A_150 = vector.extract_strided_slice %dot_general3A_110 {offsets = [0, 384], sizes = [1024, 128], strides = [1, 1]} : vector<1024x1024xf32> to vector<1024x128xf32>
    %add3A_151 = vector.broadcast %get3A_6 : vector<1024x1xf32> to vector<1024x128xf32>
    %add3A_152 = arith.addf %add3A_151, %slice3A_150 : vector<1024x128xf32>
    %get3A_153 = arith.constant 0 : index
    %get3A_154 = arith.constant 1408 : index
    %get3A_155 = vector.load %arg3[%get3A_153, %get3A_154] : memref<1x8192xf32, #tpu.memory_space<vmem>>, vector<1x128xf32>
    %add3A_156 = vector.broadcast %get3A_155 : vector<1x128xf32> to vector<1024x128xf32>
    %add3A_157 = arith.addf %add3A_152, %add3A_156 : vector<1024x128xf32>
    %lt3A_158 = arith.cmpf olt, %add3A_157, %select_n3A_146 : vector<1024x128xf32>
    %select_n3A_159 = arith.select %lt3A_158, %add3A_157, %select_n3A_146 : vector<1024x128xi1>, vector<1024x128xf32>
    %jit3A_160 = arith.constant 1.100000e+01 : f32
    %broadcast_in_dim3A_161 = vector.broadcast %jit3A_160 : f32 to vector<1024x128xf32>
    %select_n3A_162 = arith.select %lt3A_158, %broadcast_in_dim3A_161, %select_n3A_149 : vector<1024x128xi1>, vector<1024x128xf32>
    %slice3A_163 = vector.extract_strided_slice %dot_general3A_110 {offsets = [0, 512], sizes = [1024, 128], strides = [1, 1]} : vector<1024x1024xf32> to vector<1024x128xf32>
    %add3A_164 = vector.broadcast %get3A_6 : vector<1024x1xf32> to vector<1024x128xf32>
    %add3A_165 = arith.addf %add3A_164, %slice3A_163 : vector<1024x128xf32>
    %get3A_166 = arith.constant 0 : index
    %get3A_167 = arith.constant 1536 : index
    %get3A_168 = vector.load %arg3[%get3A_166, %get3A_167] : memref<1x8192xf32, #tpu.memory_space<vmem>>, vector<1x128xf32>
    %add3A_169 = vector.broadcast %get3A_168 : vector<1x128xf32> to vector<1024x128xf32>
    %add3A_170 = arith.addf %add3A_165, %add3A_169 : vector<1024x128xf32>
    %lt3A_171 = arith.cmpf olt, %add3A_170, %select_n3A_159 : vector<1024x128xf32>
    %select_n3A_172 = arith.select %lt3A_171, %add3A_170, %select_n3A_159 : vector<1024x128xi1>, vector<1024x128xf32>
    %jit3A_173 = arith.constant 1.200000e+01 : f32
    %broadcast_in_dim3A_174 = vector.broadcast %jit3A_173 : f32 to vector<1024x128xf32>
    %select_n3A_175 = arith.select %lt3A_171, %broadcast_in_dim3A_174, %select_n3A_162 : vector<1024x128xi1>, vector<1024x128xf32>
    %slice3A_176 = vector.extract_strided_slice %dot_general3A_110 {offsets = [0, 640], sizes = [1024, 128], strides = [1, 1]} : vector<1024x1024xf32> to vector<1024x128xf32>
    %add3A_177 = vector.broadcast %get3A_6 : vector<1024x1xf32> to vector<1024x128xf32>
    %add3A_178 = arith.addf %add3A_177, %slice3A_176 : vector<1024x128xf32>
    %get3A_179 = arith.constant 0 : index
    %get3A_180 = arith.constant 1664 : index
    %get3A_181 = vector.load %arg3[%get3A_179, %get3A_180] : memref<1x8192xf32, #tpu.memory_space<vmem>>, vector<1x128xf32>
    %add3A_182 = vector.broadcast %get3A_181 : vector<1x128xf32> to vector<1024x128xf32>
    %add3A_183 = arith.addf %add3A_178, %add3A_182 : vector<1024x128xf32>
    %lt3A_184 = arith.cmpf olt, %add3A_183, %select_n3A_172 : vector<1024x128xf32>
    %select_n3A_185 = arith.select %lt3A_184, %add3A_183, %select_n3A_172 : vector<1024x128xi1>, vector<1024x128xf32>
    %jit3A_186 = arith.constant 1.300000e+01 : f32
    %broadcast_in_dim3A_187 = vector.broadcast %jit3A_186 : f32 to vector<1024x128xf32>
    %select_n3A_188 = arith.select %lt3A_184, %broadcast_in_dim3A_187, %select_n3A_175 : vector<1024x128xi1>, vector<1024x128xf32>
    %slice3A_189 = vector.extract_strided_slice %dot_general3A_110 {offsets = [0, 768], sizes = [1024, 128], strides = [1, 1]} : vector<1024x1024xf32> to vector<1024x128xf32>
    %add3A_190 = vector.broadcast %get3A_6 : vector<1024x1xf32> to vector<1024x128xf32>
    %add3A_191 = arith.addf %add3A_190, %slice3A_189 : vector<1024x128xf32>
    %get3A_192 = arith.constant 0 : index
    %get3A_193 = arith.constant 1792 : index
    %get3A_194 = vector.load %arg3[%get3A_192, %get3A_193] : memref<1x8192xf32, #tpu.memory_space<vmem>>, vector<1x128xf32>
    %add3A_195 = vector.broadcast %get3A_194 : vector<1x128xf32> to vector<1024x128xf32>
    %add3A_196 = arith.addf %add3A_191, %add3A_195 : vector<1024x128xf32>
    %lt3A_197 = arith.cmpf olt, %add3A_196, %select_n3A_185 : vector<1024x128xf32>
    %select_n3A_198 = arith.select %lt3A_197, %add3A_196, %select_n3A_185 : vector<1024x128xi1>, vector<1024x128xf32>
    %jit3A_199 = arith.constant 1.400000e+01 : f32
    %broadcast_in_dim3A_200 = vector.broadcast %jit3A_199 : f32 to vector<1024x128xf32>
    %select_n3A_201 = arith.select %lt3A_197, %broadcast_in_dim3A_200, %select_n3A_188 : vector<1024x128xi1>, vector<1024x128xf32>
    %slice3A_202 = vector.extract_strided_slice %dot_general3A_110 {offsets = [0, 896], sizes = [1024, 128], strides = [1, 1]} : vector<1024x1024xf32> to vector<1024x128xf32>
    %add3A_203 = vector.broadcast %get3A_6 : vector<1024x1xf32> to vector<1024x128xf32>
    %add3A_204 = arith.addf %add3A_203, %slice3A_202 : vector<1024x128xf32>
    %get3A_205 = arith.constant 0 : index
    %get3A_206 = arith.constant 1920 : index
    %get3A_207 = vector.load %arg3[%get3A_205, %get3A_206] : memref<1x8192xf32, #tpu.memory_space<vmem>>, vector<1x128xf32>
    %add3A_208 = vector.broadcast %get3A_207 : vector<1x128xf32> to vector<1024x128xf32>
    %add3A_209 = arith.addf %add3A_204, %add3A_208 : vector<1024x128xf32>
    %lt3A_210 = arith.cmpf olt, %add3A_209, %select_n3A_198 : vector<1024x128xf32>
    %select_n3A_211 = arith.select %lt3A_210, %add3A_209, %select_n3A_198 : vector<1024x128xi1>, vector<1024x128xf32>
    %jit3A_212 = arith.constant 1.500000e+01 : f32
    %broadcast_in_dim3A_213 = vector.broadcast %jit3A_212 : f32 to vector<1024x128xf32>
    %select_n3A_214 = arith.select %lt3A_210, %broadcast_in_dim3A_213, %select_n3A_201 : vector<1024x128xi1>, vector<1024x128xf32>
    %get3A_215 = arith.constant 2048 : index
    %get3A_216 = arith.constant 0 : index
    %get3A_217 = vector.load %arg5[%get3A_215, %get3A_216] : memref<8192x256xf32, #tpu.memory_space<vmem>>, vector<1024x256xf32>
    %dot_general3A_218 = arith.constant dense<0.000000e+00> : vector<1024x1024xf32>
    %dot_general3A_219 = tpu.matmul %mul3A_3, %get3A_217, %dot_general3A_218 {dimension_numbers = #tpu.dot_dimension_numbers<[1], [1], [0], [0], [0, 0, 1, 0], [], []>, transpose_lhs_hint = false} : vector<1024x256xf32>, vector<1024x256xf32>, vector<1024x1024xf32> -> vector<1024x1024xf32>
    %slice3A_220 = vector.extract_strided_slice %dot_general3A_219 {offsets = [0, 0], sizes = [1024, 128], strides = [1, 1]} : vector<1024x1024xf32> to vector<1024x128xf32>
    %add3A_221 = vector.broadcast %get3A_6 : vector<1024x1xf32> to vector<1024x128xf32>
    %add3A_222 = arith.addf %add3A_221, %slice3A_220 : vector<1024x128xf32>
    %get3A_223 = arith.constant 0 : index
    %get3A_224 = arith.constant 2048 : index
    %get3A_225 = vector.load %arg3[%get3A_223, %get3A_224] : memref<1x8192xf32, #tpu.memory_space<vmem>>, vector<1x128xf32>
    %add3A_226 = vector.broadcast %get3A_225 : vector<1x128xf32> to vector<1024x128xf32>
    %add3A_227 = arith.addf %add3A_222, %add3A_226 : vector<1024x128xf32>
    %lt3A_228 = arith.cmpf olt, %add3A_227, %select_n3A_211 : vector<1024x128xf32>
    %select_n3A_229 = arith.select %lt3A_228, %add3A_227, %select_n3A_211 : vector<1024x128xi1>, vector<1024x128xf32>
    %jit3A_230 = arith.constant 1.600000e+01 : f32
    %broadcast_in_dim3A_231 = vector.broadcast %jit3A_230 : f32 to vector<1024x128xf32>
    %select_n3A_232 = arith.select %lt3A_228, %broadcast_in_dim3A_231, %select_n3A_214 : vector<1024x128xi1>, vector<1024x128xf32>
    %slice3A_233 = vector.extract_strided_slice %dot_general3A_219 {offsets = [0, 128], sizes = [1024, 128], strides = [1, 1]} : vector<1024x1024xf32> to vector<1024x128xf32>
    %add3A_234 = vector.broadcast %get3A_6 : vector<1024x1xf32> to vector<1024x128xf32>
    %add3A_235 = arith.addf %add3A_234, %slice3A_233 : vector<1024x128xf32>
    %get3A_236 = arith.constant 0 : index
    %get3A_237 = arith.constant 2176 : index
    %get3A_238 = vector.load %arg3[%get3A_236, %get3A_237] : memref<1x8192xf32, #tpu.memory_space<vmem>>, vector<1x128xf32>
    %add3A_239 = vector.broadcast %get3A_238 : vector<1x128xf32> to vector<1024x128xf32>
    %add3A_240 = arith.addf %add3A_235, %add3A_239 : vector<1024x128xf32>
    %lt3A_241 = arith.cmpf olt, %add3A_240, %select_n3A_229 : vector<1024x128xf32>
    %select_n3A_242 = arith.select %lt3A_241, %add3A_240, %select_n3A_229 : vector<1024x128xi1>, vector<1024x128xf32>
    %jit3A_243 = arith.constant 1.700000e+01 : f32
    %broadcast_in_dim3A_244 = vector.broadcast %jit3A_243 : f32 to vector<1024x128xf32>
    %select_n3A_245 = arith.select %lt3A_241, %broadcast_in_dim3A_244, %select_n3A_232 : vector<1024x128xi1>, vector<1024x128xf32>
    %slice3A_246 = vector.extract_strided_slice %dot_general3A_219 {offsets = [0, 256], sizes = [1024, 128], strides = [1, 1]} : vector<1024x1024xf32> to vector<1024x128xf32>
    %add3A_247 = vector.broadcast %get3A_6 : vector<1024x1xf32> to vector<1024x128xf32>
    %add3A_248 = arith.addf %add3A_247, %slice3A_246 : vector<1024x128xf32>
    %get3A_249 = arith.constant 0 : index
    %get3A_250 = arith.constant 2304 : index
    %get3A_251 = vector.load %arg3[%get3A_249, %get3A_250] : memref<1x8192xf32, #tpu.memory_space<vmem>>, vector<1x128xf32>
    %add3A_252 = vector.broadcast %get3A_251 : vector<1x128xf32> to vector<1024x128xf32>
    %add3A_253 = arith.addf %add3A_248, %add3A_252 : vector<1024x128xf32>
    %lt3A_254 = arith.cmpf olt, %add3A_253, %select_n3A_242 : vector<1024x128xf32>
    %select_n3A_255 = arith.select %lt3A_254, %add3A_253, %select_n3A_242 : vector<1024x128xi1>, vector<1024x128xf32>
    %jit3A_256 = arith.constant 1.800000e+01 : f32
    %broadcast_in_dim3A_257 = vector.broadcast %jit3A_256 : f32 to vector<1024x128xf32>
    %select_n3A_258 = arith.select %lt3A_254, %broadcast_in_dim3A_257, %select_n3A_245 : vector<1024x128xi1>, vector<1024x128xf32>
    %slice3A_259 = vector.extract_strided_slice %dot_general3A_219 {offsets = [0, 384], sizes = [1024, 128], strides = [1, 1]} : vector<1024x1024xf32> to vector<1024x128xf32>
    %add3A_260 = vector.broadcast %get3A_6 : vector<1024x1xf32> to vector<1024x128xf32>
    %add3A_261 = arith.addf %add3A_260, %slice3A_259 : vector<1024x128xf32>
    %get3A_262 = arith.constant 0 : index
    %get3A_263 = arith.constant 2432 : index
    %get3A_264 = vector.load %arg3[%get3A_262, %get3A_263] : memref<1x8192xf32, #tpu.memory_space<vmem>>, vector<1x128xf32>
    %add3A_265 = vector.broadcast %get3A_264 : vector<1x128xf32> to vector<1024x128xf32>
    %add3A_266 = arith.addf %add3A_261, %add3A_265 : vector<1024x128xf32>
    %lt3A_267 = arith.cmpf olt, %add3A_266, %select_n3A_255 : vector<1024x128xf32>
    %select_n3A_268 = arith.select %lt3A_267, %add3A_266, %select_n3A_255 : vector<1024x128xi1>, vector<1024x128xf32>
    %jit3A_269 = arith.constant 1.900000e+01 : f32
    %broadcast_in_dim3A_270 = vector.broadcast %jit3A_269 : f32 to vector<1024x128xf32>
    %select_n3A_271 = arith.select %lt3A_267, %broadcast_in_dim3A_270, %select_n3A_258 : vector<1024x128xi1>, vector<1024x128xf32>
    %slice3A_272 = vector.extract_strided_slice %dot_general3A_219 {offsets = [0, 512], sizes = [1024, 128], strides = [1, 1]} : vector<1024x1024xf32> to vector<1024x128xf32>
    %add3A_273 = vector.broadcast %get3A_6 : vector<1024x1xf32> to vector<1024x128xf32>
    %add3A_274 = arith.addf %add3A_273, %slice3A_272 : vector<1024x128xf32>
    %get3A_275 = arith.constant 0 : index
    %get3A_276 = arith.constant 2560 : index
    %get3A_277 = vector.load %arg3[%get3A_275, %get3A_276] : memref<1x8192xf32, #tpu.memory_space<vmem>>, vector<1x128xf32>
    %add3A_278 = vector.broadcast %get3A_277 : vector<1x128xf32> to vector<1024x128xf32>
    %add3A_279 = arith.addf %add3A_274, %add3A_278 : vector<1024x128xf32>
    %lt3A_280 = arith.cmpf olt, %add3A_279, %select_n3A_268 : vector<1024x128xf32>
    %select_n3A_281 = arith.select %lt3A_280, %add3A_279, %select_n3A_268 : vector<1024x128xi1>, vector<1024x128xf32>
    %jit3A_282 = arith.constant 2.000000e+01 : f32
    %broadcast_in_dim3A_283 = vector.broadcast %jit3A_282 : f32 to vector<1024x128xf32>
    %select_n3A_284 = arith.select %lt3A_280, %broadcast_in_dim3A_283, %select_n3A_271 : vector<1024x128xi1>, vector<1024x128xf32>
    %slice3A_285 = vector.extract_strided_slice %dot_general3A_219 {offsets = [0, 640], sizes = [1024, 128], strides = [1, 1]} : vector<1024x1024xf32> to vector<1024x128xf32>
    %add3A_286 = vector.broadcast %get3A_6 : vector<1024x1xf32> to vector<1024x128xf32>
    %add3A_287 = arith.addf %add3A_286, %slice3A_285 : vector<1024x128xf32>
    %get3A_288 = arith.constant 0 : index
    %get3A_289 = arith.constant 2688 : index
    %get3A_290 = vector.load %arg3[%get3A_288, %get3A_289] : memref<1x8192xf32, #tpu.memory_space<vmem>>, vector<1x128xf32>
    %add3A_291 = vector.broadcast %get3A_290 : vector<1x128xf32> to vector<1024x128xf32>
    %add3A_292 = arith.addf %add3A_287, %add3A_291 : vector<1024x128xf32>
    %lt3A_293 = arith.cmpf olt, %add3A_292, %select_n3A_281 : vector<1024x128xf32>
    %select_n3A_294 = arith.select %lt3A_293, %add3A_292, %select_n3A_281 : vector<1024x128xi1>, vector<1024x128xf32>
    %jit3A_295 = arith.constant 2.100000e+01 : f32
    %broadcast_in_dim3A_296 = vector.broadcast %jit3A_295 : f32 to vector<1024x128xf32>
    %select_n3A_297 = arith.select %lt3A_293, %broadcast_in_dim3A_296, %select_n3A_284 : vector<1024x128xi1>, vector<1024x128xf32>
    %slice3A_298 = vector.extract_strided_slice %dot_general3A_219 {offsets = [0, 768], sizes = [1024, 128], strides = [1, 1]} : vector<1024x1024xf32> to vector<1024x128xf32>
    %add3A_299 = vector.broadcast %get3A_6 : vector<1024x1xf32> to vector<1024x128xf32>
    %add3A_300 = arith.addf %add3A_299, %slice3A_298 : vector<1024x128xf32>
    %get3A_301 = arith.constant 0 : index
    %get3A_302 = arith.constant 2816 : index
    %get3A_303 = vector.load %arg3[%get3A_301, %get3A_302] : memref<1x8192xf32, #tpu.memory_space<vmem>>, vector<1x128xf32>
    %add3A_304 = vector.broadcast %get3A_303 : vector<1x128xf32> to vector<1024x128xf32>
    %add3A_305 = arith.addf %add3A_300, %add3A_304 : vector<1024x128xf32>
    %lt3A_306 = arith.cmpf olt, %add3A_305, %select_n3A_294 : vector<1024x128xf32>
    %select_n3A_307 = arith.select %lt3A_306, %add3A_305, %select_n3A_294 : vector<1024x128xi1>, vector<1024x128xf32>
    %jit3A_308 = arith.constant 2.200000e+01 : f32
    %broadcast_in_dim3A_309 = vector.broadcast %jit3A_308 : f32 to vector<1024x128xf32>
    %select_n3A_310 = arith.select %lt3A_306, %broadcast_in_dim3A_309, %select_n3A_297 : vector<1024x128xi1>, vector<1024x128xf32>
    %slice3A_311 = vector.extract_strided_slice %dot_general3A_219 {offsets = [0, 896], sizes = [1024, 128], strides = [1, 1]} : vector<1024x1024xf32> to vector<1024x128xf32>
    %add3A_312 = vector.broadcast %get3A_6 : vector<1024x1xf32> to vector<1024x128xf32>
    %add3A_313 = arith.addf %add3A_312, %slice3A_311 : vector<1024x128xf32>
    %get3A_314 = arith.constant 0 : index
    %get3A_315 = arith.constant 2944 : index
    %get3A_316 = vector.load %arg3[%get3A_314, %get3A_315] : memref<1x8192xf32, #tpu.memory_space<vmem>>, vector<1x128xf32>
    %add3A_317 = vector.broadcast %get3A_316 : vector<1x128xf32> to vector<1024x128xf32>
    %add3A_318 = arith.addf %add3A_313, %add3A_317 : vector<1024x128xf32>
    %lt3A_319 = arith.cmpf olt, %add3A_318, %select_n3A_307 : vector<1024x128xf32>
    %select_n3A_320 = arith.select %lt3A_319, %add3A_318, %select_n3A_307 : vector<1024x128xi1>, vector<1024x128xf32>
    %jit3A_321 = arith.constant 2.300000e+01 : f32
    %broadcast_in_dim3A_322 = vector.broadcast %jit3A_321 : f32 to vector<1024x128xf32>
    %select_n3A_323 = arith.select %lt3A_319, %broadcast_in_dim3A_322, %select_n3A_310 : vector<1024x128xi1>, vector<1024x128xf32>
    %get3A_324 = arith.constant 3072 : index
    %get3A_325 = arith.constant 0 : index
    %get3A_326 = vector.load %arg5[%get3A_324, %get3A_325] : memref<8192x256xf32, #tpu.memory_space<vmem>>, vector<1024x256xf32>
    %dot_general3A_327 = arith.constant dense<0.000000e+00> : vector<1024x1024xf32>
    %dot_general3A_328 = tpu.matmul %mul3A_3, %get3A_326, %dot_general3A_327 {dimension_numbers = #tpu.dot_dimension_numbers<[1], [1], [0], [0], [0, 0, 1, 0], [], []>, transpose_lhs_hint = false} : vector<1024x256xf32>, vector<1024x256xf32>, vector<1024x1024xf32> -> vector<1024x1024xf32>
    %slice3A_329 = vector.extract_strided_slice %dot_general3A_328 {offsets = [0, 0], sizes = [1024, 128], strides = [1, 1]} : vector<1024x1024xf32> to vector<1024x128xf32>
    %add3A_330 = vector.broadcast %get3A_6 : vector<1024x1xf32> to vector<1024x128xf32>
    %add3A_331 = arith.addf %add3A_330, %slice3A_329 : vector<1024x128xf32>
    %get3A_332 = arith.constant 0 : index
    %get3A_333 = arith.constant 3072 : index
    %get3A_334 = vector.load %arg3[%get3A_332, %get3A_333] : memref<1x8192xf32, #tpu.memory_space<vmem>>, vector<1x128xf32>
    %add3A_335 = vector.broadcast %get3A_334 : vector<1x128xf32> to vector<1024x128xf32>
    %add3A_336 = arith.addf %add3A_331, %add3A_335 : vector<1024x128xf32>
    %lt3A_337 = arith.cmpf olt, %add3A_336, %select_n3A_320 : vector<1024x128xf32>
    %select_n3A_338 = arith.select %lt3A_337, %add3A_336, %select_n3A_320 : vector<1024x128xi1>, vector<1024x128xf32>
    %jit3A_339 = arith.constant 2.400000e+01 : f32
    %broadcast_in_dim3A_340 = vector.broadcast %jit3A_339 : f32 to vector<1024x128xf32>
    %select_n3A_341 = arith.select %lt3A_337, %broadcast_in_dim3A_340, %select_n3A_323 : vector<1024x128xi1>, vector<1024x128xf32>
    %slice3A_342 = vector.extract_strided_slice %dot_general3A_328 {offsets = [0, 128], sizes = [1024, 128], strides = [1, 1]} : vector<1024x1024xf32> to vector<1024x128xf32>
    %add3A_343 = vector.broadcast %get3A_6 : vector<1024x1xf32> to vector<1024x128xf32>
    %add3A_344 = arith.addf %add3A_343, %slice3A_342 : vector<1024x128xf32>
    %get3A_345 = arith.constant 0 : index
    %get3A_346 = arith.constant 3200 : index
    %get3A_347 = vector.load %arg3[%get3A_345, %get3A_346] : memref<1x8192xf32, #tpu.memory_space<vmem>>, vector<1x128xf32>
    %add3A_348 = vector.broadcast %get3A_347 : vector<1x128xf32> to vector<1024x128xf32>
    %add3A_349 = arith.addf %add3A_344, %add3A_348 : vector<1024x128xf32>
    %lt3A_350 = arith.cmpf olt, %add3A_349, %select_n3A_338 : vector<1024x128xf32>
    %select_n3A_351 = arith.select %lt3A_350, %add3A_349, %select_n3A_338 : vector<1024x128xi1>, vector<1024x128xf32>
    %jit3A_352 = arith.constant 2.500000e+01 : f32
    %broadcast_in_dim3A_353 = vector.broadcast %jit3A_352 : f32 to vector<1024x128xf32>
    %select_n3A_354 = arith.select %lt3A_350, %broadcast_in_dim3A_353, %select_n3A_341 : vector<1024x128xi1>, vector<1024x128xf32>
    %slice3A_355 = vector.extract_strided_slice %dot_general3A_328 {offsets = [0, 256], sizes = [1024, 128], strides = [1, 1]} : vector<1024x1024xf32> to vector<1024x128xf32>
    %add3A_356 = vector.broadcast %get3A_6 : vector<1024x1xf32> to vector<1024x128xf32>
    %add3A_357 = arith.addf %add3A_356, %slice3A_355 : vector<1024x128xf32>
    %get3A_358 = arith.constant 0 : index
    %get3A_359 = arith.constant 3328 : index
    %get3A_360 = vector.load %arg3[%get3A_358, %get3A_359] : memref<1x8192xf32, #tpu.memory_space<vmem>>, vector<1x128xf32>
    %add3A_361 = vector.broadcast %get3A_360 : vector<1x128xf32> to vector<1024x128xf32>
    %add3A_362 = arith.addf %add3A_357, %add3A_361 : vector<1024x128xf32>
    %lt3A_363 = arith.cmpf olt, %add3A_362, %select_n3A_351 : vector<1024x128xf32>
    %select_n3A_364 = arith.select %lt3A_363, %add3A_362, %select_n3A_351 : vector<1024x128xi1>, vector<1024x128xf32>
    %jit3A_365 = arith.constant 2.600000e+01 : f32
    %broadcast_in_dim3A_366 = vector.broadcast %jit3A_365 : f32 to vector<1024x128xf32>
    %select_n3A_367 = arith.select %lt3A_363, %broadcast_in_dim3A_366, %select_n3A_354 : vector<1024x128xi1>, vector<1024x128xf32>
    %slice3A_368 = vector.extract_strided_slice %dot_general3A_328 {offsets = [0, 384], sizes = [1024, 128], strides = [1, 1]} : vector<1024x1024xf32> to vector<1024x128xf32>
    %add3A_369 = vector.broadcast %get3A_6 : vector<1024x1xf32> to vector<1024x128xf32>
    %add3A_370 = arith.addf %add3A_369, %slice3A_368 : vector<1024x128xf32>
    %get3A_371 = arith.constant 0 : index
    %get3A_372 = arith.constant 3456 : index
    %get3A_373 = vector.load %arg3[%get3A_371, %get3A_372] : memref<1x8192xf32, #tpu.memory_space<vmem>>, vector<1x128xf32>
    %add3A_374 = vector.broadcast %get3A_373 : vector<1x128xf32> to vector<1024x128xf32>
    %add3A_375 = arith.addf %add3A_370, %add3A_374 : vector<1024x128xf32>
    %lt3A_376 = arith.cmpf olt, %add3A_375, %select_n3A_364 : vector<1024x128xf32>
    %select_n3A_377 = arith.select %lt3A_376, %add3A_375, %select_n3A_364 : vector<1024x128xi1>, vector<1024x128xf32>
    %jit3A_378 = arith.constant 2.700000e+01 : f32
    %broadcast_in_dim3A_379 = vector.broadcast %jit3A_378 : f32 to vector<1024x128xf32>
    %select_n3A_380 = arith.select %lt3A_376, %broadcast_in_dim3A_379, %select_n3A_367 : vector<1024x128xi1>, vector<1024x128xf32>
    %slice3A_381 = vector.extract_strided_slice %dot_general3A_328 {offsets = [0, 512], sizes = [1024, 128], strides = [1, 1]} : vector<1024x1024xf32> to vector<1024x128xf32>
    %add3A_382 = vector.broadcast %get3A_6 : vector<1024x1xf32> to vector<1024x128xf32>
    %add3A_383 = arith.addf %add3A_382, %slice3A_381 : vector<1024x128xf32>
    %get3A_384 = arith.constant 0 : index
    %get3A_385 = arith.constant 3584 : index
    %get3A_386 = vector.load %arg3[%get3A_384, %get3A_385] : memref<1x8192xf32, #tpu.memory_space<vmem>>, vector<1x128xf32>
    %add3A_387 = vector.broadcast %get3A_386 : vector<1x128xf32> to vector<1024x128xf32>
    %add3A_388 = arith.addf %add3A_383, %add3A_387 : vector<1024x128xf32>
    %lt3A_389 = arith.cmpf olt, %add3A_388, %select_n3A_377 : vector<1024x128xf32>
    %select_n3A_390 = arith.select %lt3A_389, %add3A_388, %select_n3A_377 : vector<1024x128xi1>, vector<1024x128xf32>
    %jit3A_391 = arith.constant 2.800000e+01 : f32
    %broadcast_in_dim3A_392 = vector.broadcast %jit3A_391 : f32 to vector<1024x128xf32>
    %select_n3A_393 = arith.select %lt3A_389, %broadcast_in_dim3A_392, %select_n3A_380 : vector<1024x128xi1>, vector<1024x128xf32>
    %slice3A_394 = vector.extract_strided_slice %dot_general3A_328 {offsets = [0, 640], sizes = [1024, 128], strides = [1, 1]} : vector<1024x1024xf32> to vector<1024x128xf32>
    %add3A_395 = vector.broadcast %get3A_6 : vector<1024x1xf32> to vector<1024x128xf32>
    %add3A_396 = arith.addf %add3A_395, %slice3A_394 : vector<1024x128xf32>
    %get3A_397 = arith.constant 0 : index
    %get3A_398 = arith.constant 3712 : index
    %get3A_399 = vector.load %arg3[%get3A_397, %get3A_398] : memref<1x8192xf32, #tpu.memory_space<vmem>>, vector<1x128xf32>
    %add3A_400 = vector.broadcast %get3A_399 : vector<1x128xf32> to vector<1024x128xf32>
    %add3A_401 = arith.addf %add3A_396, %add3A_400 : vector<1024x128xf32>
    %lt3A_402 = arith.cmpf olt, %add3A_401, %select_n3A_390 : vector<1024x128xf32>
    %select_n3A_403 = arith.select %lt3A_402, %add3A_401, %select_n3A_390 : vector<1024x128xi1>, vector<1024x128xf32>
    %jit3A_404 = arith.constant 2.900000e+01 : f32
    %broadcast_in_dim3A_405 = vector.broadcast %jit3A_404 : f32 to vector<1024x128xf32>
    %select_n3A_406 = arith.select %lt3A_402, %broadcast_in_dim3A_405, %select_n3A_393 : vector<1024x128xi1>, vector<1024x128xf32>
    %slice3A_407 = vector.extract_strided_slice %dot_general3A_328 {offsets = [0, 768], sizes = [1024, 128], strides = [1, 1]} : vector<1024x1024xf32> to vector<1024x128xf32>
    %add3A_408 = vector.broadcast %get3A_6 : vector<1024x1xf32> to vector<1024x128xf32>
    %add3A_409 = arith.addf %add3A_408, %slice3A_407 : vector<1024x128xf32>
    %get3A_410 = arith.constant 0 : index
    %get3A_411 = arith.constant 3840 : index
    %get3A_412 = vector.load %arg3[%get3A_410, %get3A_411] : memref<1x8192xf32, #tpu.memory_space<vmem>>, vector<1x128xf32>
    %add3A_413 = vector.broadcast %get3A_412 : vector<1x128xf32> to vector<1024x128xf32>
    %add3A_414 = arith.addf %add3A_409, %add3A_413 : vector<1024x128xf32>
    %lt3A_415 = arith.cmpf olt, %add3A_414, %select_n3A_403 : vector<1024x128xf32>
    %select_n3A_416 = arith.select %lt3A_415, %add3A_414, %select_n3A_403 : vector<1024x128xi1>, vector<1024x128xf32>
    %jit3A_417 = arith.constant 3.000000e+01 : f32
    %broadcast_in_dim3A_418 = vector.broadcast %jit3A_417 : f32 to vector<1024x128xf32>
    %select_n3A_419 = arith.select %lt3A_415, %broadcast_in_dim3A_418, %select_n3A_406 : vector<1024x128xi1>, vector<1024x128xf32>
    %slice3A_420 = vector.extract_strided_slice %dot_general3A_328 {offsets = [0, 896], sizes = [1024, 128], strides = [1, 1]} : vector<1024x1024xf32> to vector<1024x128xf32>
    %add3A_421 = vector.broadcast %get3A_6 : vector<1024x1xf32> to vector<1024x128xf32>
    %add3A_422 = arith.addf %add3A_421, %slice3A_420 : vector<1024x128xf32>
    %get3A_423 = arith.constant 0 : index
    %get3A_424 = arith.constant 3968 : index
    %get3A_425 = vector.load %arg3[%get3A_423, %get3A_424] : memref<1x8192xf32, #tpu.memory_space<vmem>>, vector<1x128xf32>
    %add3A_426 = vector.broadcast %get3A_425 : vector<1x128xf32> to vector<1024x128xf32>
    %add3A_427 = arith.addf %add3A_422, %add3A_426 : vector<1024x128xf32>
    %lt3A_428 = arith.cmpf olt, %add3A_427, %select_n3A_416 : vector<1024x128xf32>
    %select_n3A_429 = arith.select %lt3A_428, %add3A_427, %select_n3A_416 : vector<1024x128xi1>, vector<1024x128xf32>
    %jit3A_430 = arith.constant 3.100000e+01 : f32
    %broadcast_in_dim3A_431 = vector.broadcast %jit3A_430 : f32 to vector<1024x128xf32>
    %select_n3A_432 = arith.select %lt3A_428, %broadcast_in_dim3A_431, %select_n3A_419 : vector<1024x128xi1>, vector<1024x128xf32>
    %get3A_433 = arith.constant 4096 : index
    %get3A_434 = arith.constant 0 : index
    %get3A_435 = vector.load %arg5[%get3A_433, %get3A_434] : memref<8192x256xf32, #tpu.memory_space<vmem>>, vector<1024x256xf32>
    %dot_general3A_436 = arith.constant dense<0.000000e+00> : vector<1024x1024xf32>
    %dot_general3A_437 = tpu.matmul %mul3A_3, %get3A_435, %dot_general3A_436 {dimension_numbers = #tpu.dot_dimension_numbers<[1], [1], [0], [0], [0, 0, 1, 0], [], []>, transpose_lhs_hint = false} : vector<1024x256xf32>, vector<1024x256xf32>, vector<1024x1024xf32> -> vector<1024x1024xf32>
    %slice3A_438 = vector.extract_strided_slice %dot_general3A_437 {offsets = [0, 0], sizes = [1024, 128], strides = [1, 1]} : vector<1024x1024xf32> to vector<1024x128xf32>
    %add3A_439 = vector.broadcast %get3A_6 : vector<1024x1xf32> to vector<1024x128xf32>
    %add3A_440 = arith.addf %add3A_439, %slice3A_438 : vector<1024x128xf32>
    %get3A_441 = arith.constant 0 : index
    %get3A_442 = arith.constant 4096 : index
    %get3A_443 = vector.load %arg3[%get3A_441, %get3A_442] : memref<1x8192xf32, #tpu.memory_space<vmem>>, vector<1x128xf32>
    %add3A_444 = vector.broadcast %get3A_443 : vector<1x128xf32> to vector<1024x128xf32>
    %add3A_445 = arith.addf %add3A_440, %add3A_444 : vector<1024x128xf32>
    %lt3A_446 = arith.cmpf olt, %add3A_445, %select_n3A_429 : vector<1024x128xf32>
    %select_n3A_447 = arith.select %lt3A_446, %add3A_445, %select_n3A_429 : vector<1024x128xi1>, vector<1024x128xf32>
    %jit3A_448 = arith.constant 3.200000e+01 : f32
    %broadcast_in_dim3A_449 = vector.broadcast %jit3A_448 : f32 to vector<1024x128xf32>
    %select_n3A_450 = arith.select %lt3A_446, %broadcast_in_dim3A_449, %select_n3A_432 : vector<1024x128xi1>, vector<1024x128xf32>
    %slice3A_451 = vector.extract_strided_slice %dot_general3A_437 {offsets = [0, 128], sizes = [1024, 128], strides = [1, 1]} : vector<1024x1024xf32> to vector<1024x128xf32>
    %add3A_452 = vector.broadcast %get3A_6 : vector<1024x1xf32> to vector<1024x128xf32>
    %add3A_453 = arith.addf %add3A_452, %slice3A_451 : vector<1024x128xf32>
    %get3A_454 = arith.constant 0 : index
    %get3A_455 = arith.constant 4224 : index
    %get3A_456 = vector.load %arg3[%get3A_454, %get3A_455] : memref<1x8192xf32, #tpu.memory_space<vmem>>, vector<1x128xf32>
    %add3A_457 = vector.broadcast %get3A_456 : vector<1x128xf32> to vector<1024x128xf32>
    %add3A_458 = arith.addf %add3A_453, %add3A_457 : vector<1024x128xf32>
    %lt3A_459 = arith.cmpf olt, %add3A_458, %select_n3A_447 : vector<1024x128xf32>
    %select_n3A_460 = arith.select %lt3A_459, %add3A_458, %select_n3A_447 : vector<1024x128xi1>, vector<1024x128xf32>
    %jit3A_461 = arith.constant 3.300000e+01 : f32
    %broadcast_in_dim3A_462 = vector.broadcast %jit3A_461 : f32 to vector<1024x128xf32>
    %select_n3A_463 = arith.select %lt3A_459, %broadcast_in_dim3A_462, %select_n3A_450 : vector<1024x128xi1>, vector<1024x128xf32>
    %slice3A_464 = vector.extract_strided_slice %dot_general3A_437 {offsets = [0, 256], sizes = [1024, 128], strides = [1, 1]} : vector<1024x1024xf32> to vector<1024x128xf32>
    %add3A_465 = vector.broadcast %get3A_6 : vector<1024x1xf32> to vector<1024x128xf32>
    %add3A_466 = arith.addf %add3A_465, %slice3A_464 : vector<1024x128xf32>
    %get3A_467 = arith.constant 0 : index
    %get3A_468 = arith.constant 4352 : index
    %get3A_469 = vector.load %arg3[%get3A_467, %get3A_468] : memref<1x8192xf32, #tpu.memory_space<vmem>>, vector<1x128xf32>
    %add3A_470 = vector.broadcast %get3A_469 : vector<1x128xf32> to vector<1024x128xf32>
    %add3A_471 = arith.addf %add3A_466, %add3A_470 : vector<1024x128xf32>
    %lt3A_472 = arith.cmpf olt, %add3A_471, %select_n3A_460 : vector<1024x128xf32>
    %select_n3A_473 = arith.select %lt3A_472, %add3A_471, %select_n3A_460 : vector<1024x128xi1>, vector<1024x128xf32>
    %jit3A_474 = arith.constant 3.400000e+01 : f32
    %broadcast_in_dim3A_475 = vector.broadcast %jit3A_474 : f32 to vector<1024x128xf32>
    %select_n3A_476 = arith.select %lt3A_472, %broadcast_in_dim3A_475, %select_n3A_463 : vector<1024x128xi1>, vector<1024x128xf32>
    %slice3A_477 = vector.extract_strided_slice %dot_general3A_437 {offsets = [0, 384], sizes = [1024, 128], strides = [1, 1]} : vector<1024x1024xf32> to vector<1024x128xf32>
    %add3A_478 = vector.broadcast %get3A_6 : vector<1024x1xf32> to vector<1024x128xf32>
    %add3A_479 = arith.addf %add3A_478, %slice3A_477 : vector<1024x128xf32>
    %get3A_480 = arith.constant 0 : index
    %get3A_481 = arith.constant 4480 : index
    %get3A_482 = vector.load %arg3[%get3A_480, %get3A_481] : memref<1x8192xf32, #tpu.memory_space<vmem>>, vector<1x128xf32>
    %add3A_483 = vector.broadcast %get3A_482 : vector<1x128xf32> to vector<1024x128xf32>
    %add3A_484 = arith.addf %add3A_479, %add3A_483 : vector<1024x128xf32>
    %lt3A_485 = arith.cmpf olt, %add3A_484, %select_n3A_473 : vector<1024x128xf32>
    %select_n3A_486 = arith.select %lt3A_485, %add3A_484, %select_n3A_473 : vector<1024x128xi1>, vector<1024x128xf32>
    %jit3A_487 = arith.constant 3.500000e+01 : f32
    %broadcast_in_dim3A_488 = vector.broadcast %jit3A_487 : f32 to vector<1024x128xf32>
    %select_n3A_489 = arith.select %lt3A_485, %broadcast_in_dim3A_488, %select_n3A_476 : vector<1024x128xi1>, vector<1024x128xf32>
    %slice3A_490 = vector.extract_strided_slice %dot_general3A_437 {offsets = [0, 512], sizes = [1024, 128], strides = [1, 1]} : vector<1024x1024xf32> to vector<1024x128xf32>
    %add3A_491 = vector.broadcast %get3A_6 : vector<1024x1xf32> to vector<1024x128xf32>
    %add3A_492 = arith.addf %add3A_491, %slice3A_490 : vector<1024x128xf32>
    %get3A_493 = arith.constant 0 : index
    %get3A_494 = arith.constant 4608 : index
    %get3A_495 = vector.load %arg3[%get3A_493, %get3A_494] : memref<1x8192xf32, #tpu.memory_space<vmem>>, vector<1x128xf32>
    %add3A_496 = vector.broadcast %get3A_495 : vector<1x128xf32> to vector<1024x128xf32>
    %add3A_497 = arith.addf %add3A_492, %add3A_496 : vector<1024x128xf32>
    %lt3A_498 = arith.cmpf olt, %add3A_497, %select_n3A_486 : vector<1024x128xf32>
    %select_n3A_499 = arith.select %lt3A_498, %add3A_497, %select_n3A_486 : vector<1024x128xi1>, vector<1024x128xf32>
    %jit3A_500 = arith.constant 3.600000e+01 : f32
    %broadcast_in_dim3A_501 = vector.broadcast %jit3A_500 : f32 to vector<1024x128xf32>
    %select_n3A_502 = arith.select %lt3A_498, %broadcast_in_dim3A_501, %select_n3A_489 : vector<1024x128xi1>, vector<1024x128xf32>
    %slice3A_503 = vector.extract_strided_slice %dot_general3A_437 {offsets = [0, 640], sizes = [1024, 128], strides = [1, 1]} : vector<1024x1024xf32> to vector<1024x128xf32>
    %add3A_504 = vector.broadcast %get3A_6 : vector<1024x1xf32> to vector<1024x128xf32>
    %add3A_505 = arith.addf %add3A_504, %slice3A_503 : vector<1024x128xf32>
    %get3A_506 = arith.constant 0 : index
    %get3A_507 = arith.constant 4736 : index
    %get3A_508 = vector.load %arg3[%get3A_506, %get3A_507] : memref<1x8192xf32, #tpu.memory_space<vmem>>, vector<1x128xf32>
    %add3A_509 = vector.broadcast %get3A_508 : vector<1x128xf32> to vector<1024x128xf32>
    %add3A_510 = arith.addf %add3A_505, %add3A_509 : vector<1024x128xf32>
    %lt3A_511 = arith.cmpf olt, %add3A_510, %select_n3A_499 : vector<1024x128xf32>
    %select_n3A_512 = arith.select %lt3A_511, %add3A_510, %select_n3A_499 : vector<1024x128xi1>, vector<1024x128xf32>
    %jit3A_513 = arith.constant 3.700000e+01 : f32
    %broadcast_in_dim3A_514 = vector.broadcast %jit3A_513 : f32 to vector<1024x128xf32>
    %select_n3A_515 = arith.select %lt3A_511, %broadcast_in_dim3A_514, %select_n3A_502 : vector<1024x128xi1>, vector<1024x128xf32>
    %slice3A_516 = vector.extract_strided_slice %dot_general3A_437 {offsets = [0, 768], sizes = [1024, 128], strides = [1, 1]} : vector<1024x1024xf32> to vector<1024x128xf32>
    %add3A_517 = vector.broadcast %get3A_6 : vector<1024x1xf32> to vector<1024x128xf32>
    %add3A_518 = arith.addf %add3A_517, %slice3A_516 : vector<1024x128xf32>
    %get3A_519 = arith.constant 0 : index
    %get3A_520 = arith.constant 4864 : index
    %get3A_521 = vector.load %arg3[%get3A_519, %get3A_520] : memref<1x8192xf32, #tpu.memory_space<vmem>>, vector<1x128xf32>
    %add3A_522 = vector.broadcast %get3A_521 : vector<1x128xf32> to vector<1024x128xf32>
    %add3A_523 = arith.addf %add3A_518, %add3A_522 : vector<1024x128xf32>
    %lt3A_524 = arith.cmpf olt, %add3A_523, %select_n3A_512 : vector<1024x128xf32>
    %select_n3A_525 = arith.select %lt3A_524, %add3A_523, %select_n3A_512 : vector<1024x128xi1>, vector<1024x128xf32>
    %jit3A_526 = arith.constant 3.800000e+01 : f32
    %broadcast_in_dim3A_527 = vector.broadcast %jit3A_526 : f32 to vector<1024x128xf32>
    %select_n3A_528 = arith.select %lt3A_524, %broadcast_in_dim3A_527, %select_n3A_515 : vector<1024x128xi1>, vector<1024x128xf32>
    %slice3A_529 = vector.extract_strided_slice %dot_general3A_437 {offsets = [0, 896], sizes = [1024, 128], strides = [1, 1]} : vector<1024x1024xf32> to vector<1024x128xf32>
    %add3A_530 = vector.broadcast %get3A_6 : vector<1024x1xf32> to vector<1024x128xf32>
    %add3A_531 = arith.addf %add3A_530, %slice3A_529 : vector<1024x128xf32>
    %get3A_532 = arith.constant 0 : index
    %get3A_533 = arith.constant 4992 : index
    %get3A_534 = vector.load %arg3[%get3A_532, %get3A_533] : memref<1x8192xf32, #tpu.memory_space<vmem>>, vector<1x128xf32>
    %add3A_535 = vector.broadcast %get3A_534 : vector<1x128xf32> to vector<1024x128xf32>
    %add3A_536 = arith.addf %add3A_531, %add3A_535 : vector<1024x128xf32>
    %lt3A_537 = arith.cmpf olt, %add3A_536, %select_n3A_525 : vector<1024x128xf32>
    %select_n3A_538 = arith.select %lt3A_537, %add3A_536, %select_n3A_525 : vector<1024x128xi1>, vector<1024x128xf32>
    %jit3A_539 = arith.constant 3.900000e+01 : f32
    %broadcast_in_dim3A_540 = vector.broadcast %jit3A_539 : f32 to vector<1024x128xf32>
    %select_n3A_541 = arith.select %lt3A_537, %broadcast_in_dim3A_540, %select_n3A_528 : vector<1024x128xi1>, vector<1024x128xf32>
    %get3A_542 = arith.constant 5120 : index
    %get3A_543 = arith.constant 0 : index
    %get3A_544 = vector.load %arg5[%get3A_542, %get3A_543] : memref<8192x256xf32, #tpu.memory_space<vmem>>, vector<1024x256xf32>
    %dot_general3A_545 = arith.constant dense<0.000000e+00> : vector<1024x1024xf32>
    %dot_general3A_546 = tpu.matmul %mul3A_3, %get3A_544, %dot_general3A_545 {dimension_numbers = #tpu.dot_dimension_numbers<[1], [1], [0], [0], [0, 0, 1, 0], [], []>, transpose_lhs_hint = false} : vector<1024x256xf32>, vector<1024x256xf32>, vector<1024x1024xf32> -> vector<1024x1024xf32>
    %slice3A_547 = vector.extract_strided_slice %dot_general3A_546 {offsets = [0, 0], sizes = [1024, 128], strides = [1, 1]} : vector<1024x1024xf32> to vector<1024x128xf32>
    %add3A_548 = vector.broadcast %get3A_6 : vector<1024x1xf32> to vector<1024x128xf32>
    %add3A_549 = arith.addf %add3A_548, %slice3A_547 : vector<1024x128xf32>
    %get3A_550 = arith.constant 0 : index
    %get3A_551 = arith.constant 5120 : index
    %get3A_552 = vector.load %arg3[%get3A_550, %get3A_551] : memref<1x8192xf32, #tpu.memory_space<vmem>>, vector<1x128xf32>
    %add3A_553 = vector.broadcast %get3A_552 : vector<1x128xf32> to vector<1024x128xf32>
    %add3A_554 = arith.addf %add3A_549, %add3A_553 : vector<1024x128xf32>
    %lt3A_555 = arith.cmpf olt, %add3A_554, %select_n3A_538 : vector<1024x128xf32>
    %select_n3A_556 = arith.select %lt3A_555, %add3A_554, %select_n3A_538 : vector<1024x128xi1>, vector<1024x128xf32>
    %jit3A_557 = arith.constant 4.000000e+01 : f32
    %broadcast_in_dim3A_558 = vector.broadcast %jit3A_557 : f32 to vector<1024x128xf32>
    %select_n3A_559 = arith.select %lt3A_555, %broadcast_in_dim3A_558, %select_n3A_541 : vector<1024x128xi1>, vector<1024x128xf32>
    %slice3A_560 = vector.extract_strided_slice %dot_general3A_546 {offsets = [0, 128], sizes = [1024, 128], strides = [1, 1]} : vector<1024x1024xf32> to vector<1024x128xf32>
    %add3A_561 = vector.broadcast %get3A_6 : vector<1024x1xf32> to vector<1024x128xf32>
    %add3A_562 = arith.addf %add3A_561, %slice3A_560 : vector<1024x128xf32>
    %get3A_563 = arith.constant 0 : index
    %get3A_564 = arith.constant 5248 : index
    %get3A_565 = vector.load %arg3[%get3A_563, %get3A_564] : memref<1x8192xf32, #tpu.memory_space<vmem>>, vector<1x128xf32>
    %add3A_566 = vector.broadcast %get3A_565 : vector<1x128xf32> to vector<1024x128xf32>
    %add3A_567 = arith.addf %add3A_562, %add3A_566 : vector<1024x128xf32>
    %lt3A_568 = arith.cmpf olt, %add3A_567, %select_n3A_556 : vector<1024x128xf32>
    %select_n3A_569 = arith.select %lt3A_568, %add3A_567, %select_n3A_556 : vector<1024x128xi1>, vector<1024x128xf32>
    %jit3A_570 = arith.constant 4.100000e+01 : f32
    %broadcast_in_dim3A_571 = vector.broadcast %jit3A_570 : f32 to vector<1024x128xf32>
    %select_n3A_572 = arith.select %lt3A_568, %broadcast_in_dim3A_571, %select_n3A_559 : vector<1024x128xi1>, vector<1024x128xf32>
    %slice3A_573 = vector.extract_strided_slice %dot_general3A_546 {offsets = [0, 256], sizes = [1024, 128], strides = [1, 1]} : vector<1024x1024xf32> to vector<1024x128xf32>
    %add3A_574 = vector.broadcast %get3A_6 : vector<1024x1xf32> to vector<1024x128xf32>
    %add3A_575 = arith.addf %add3A_574, %slice3A_573 : vector<1024x128xf32>
    %get3A_576 = arith.constant 0 : index
    %get3A_577 = arith.constant 5376 : index
    %get3A_578 = vector.load %arg3[%get3A_576, %get3A_577] : memref<1x8192xf32, #tpu.memory_space<vmem>>, vector<1x128xf32>
    %add3A_579 = vector.broadcast %get3A_578 : vector<1x128xf32> to vector<1024x128xf32>
    %add3A_580 = arith.addf %add3A_575, %add3A_579 : vector<1024x128xf32>
    %lt3A_581 = arith.cmpf olt, %add3A_580, %select_n3A_569 : vector<1024x128xf32>
    %select_n3A_582 = arith.select %lt3A_581, %add3A_580, %select_n3A_569 : vector<1024x128xi1>, vector<1024x128xf32>
    %jit3A_583 = arith.constant 4.200000e+01 : f32
    %broadcast_in_dim3A_584 = vector.broadcast %jit3A_583 : f32 to vector<1024x128xf32>
    %select_n3A_585 = arith.select %lt3A_581, %broadcast_in_dim3A_584, %select_n3A_572 : vector<1024x128xi1>, vector<1024x128xf32>
    %slice3A_586 = vector.extract_strided_slice %dot_general3A_546 {offsets = [0, 384], sizes = [1024, 128], strides = [1, 1]} : vector<1024x1024xf32> to vector<1024x128xf32>
    %add3A_587 = vector.broadcast %get3A_6 : vector<1024x1xf32> to vector<1024x128xf32>
    %add3A_588 = arith.addf %add3A_587, %slice3A_586 : vector<1024x128xf32>
    %get3A_589 = arith.constant 0 : index
    %get3A_590 = arith.constant 5504 : index
    %get3A_591 = vector.load %arg3[%get3A_589, %get3A_590] : memref<1x8192xf32, #tpu.memory_space<vmem>>, vector<1x128xf32>
    %add3A_592 = vector.broadcast %get3A_591 : vector<1x128xf32> to vector<1024x128xf32>
    %add3A_593 = arith.addf %add3A_588, %add3A_592 : vector<1024x128xf32>
    %lt3A_594 = arith.cmpf olt, %add3A_593, %select_n3A_582 : vector<1024x128xf32>
    %select_n3A_595 = arith.select %lt3A_594, %add3A_593, %select_n3A_582 : vector<1024x128xi1>, vector<1024x128xf32>
    %jit3A_596 = arith.constant 4.300000e+01 : f32
    %broadcast_in_dim3A_597 = vector.broadcast %jit3A_596 : f32 to vector<1024x128xf32>
    %select_n3A_598 = arith.select %lt3A_594, %broadcast_in_dim3A_597, %select_n3A_585 : vector<1024x128xi1>, vector<1024x128xf32>
    %slice3A_599 = vector.extract_strided_slice %dot_general3A_546 {offsets = [0, 512], sizes = [1024, 128], strides = [1, 1]} : vector<1024x1024xf32> to vector<1024x128xf32>
    %add3A_600 = vector.broadcast %get3A_6 : vector<1024x1xf32> to vector<1024x128xf32>
    %add3A_601 = arith.addf %add3A_600, %slice3A_599 : vector<1024x128xf32>
    %get3A_602 = arith.constant 0 : index
    %get3A_603 = arith.constant 5632 : index
    %get3A_604 = vector.load %arg3[%get3A_602, %get3A_603] : memref<1x8192xf32, #tpu.memory_space<vmem>>, vector<1x128xf32>
    %add3A_605 = vector.broadcast %get3A_604 : vector<1x128xf32> to vector<1024x128xf32>
    %add3A_606 = arith.addf %add3A_601, %add3A_605 : vector<1024x128xf32>
    %lt3A_607 = arith.cmpf olt, %add3A_606, %select_n3A_595 : vector<1024x128xf32>
    %select_n3A_608 = arith.select %lt3A_607, %add3A_606, %select_n3A_595 : vector<1024x128xi1>, vector<1024x128xf32>
    %jit3A_609 = arith.constant 4.400000e+01 : f32
    %broadcast_in_dim3A_610 = vector.broadcast %jit3A_609 : f32 to vector<1024x128xf32>
    %select_n3A_611 = arith.select %lt3A_607, %broadcast_in_dim3A_610, %select_n3A_598 : vector<1024x128xi1>, vector<1024x128xf32>
    %slice3A_612 = vector.extract_strided_slice %dot_general3A_546 {offsets = [0, 640], sizes = [1024, 128], strides = [1, 1]} : vector<1024x1024xf32> to vector<1024x128xf32>
    %add3A_613 = vector.broadcast %get3A_6 : vector<1024x1xf32> to vector<1024x128xf32>
    %add3A_614 = arith.addf %add3A_613, %slice3A_612 : vector<1024x128xf32>
    %get3A_615 = arith.constant 0 : index
    %get3A_616 = arith.constant 5760 : index
    %get3A_617 = vector.load %arg3[%get3A_615, %get3A_616] : memref<1x8192xf32, #tpu.memory_space<vmem>>, vector<1x128xf32>
    %add3A_618 = vector.broadcast %get3A_617 : vector<1x128xf32> to vector<1024x128xf32>
    %add3A_619 = arith.addf %add3A_614, %add3A_618 : vector<1024x128xf32>
    %lt3A_620 = arith.cmpf olt, %add3A_619, %select_n3A_608 : vector<1024x128xf32>
    %select_n3A_621 = arith.select %lt3A_620, %add3A_619, %select_n3A_608 : vector<1024x128xi1>, vector<1024x128xf32>
    %jit3A_622 = arith.constant 4.500000e+01 : f32
    %broadcast_in_dim3A_623 = vector.broadcast %jit3A_622 : f32 to vector<1024x128xf32>
    %select_n3A_624 = arith.select %lt3A_620, %broadcast_in_dim3A_623, %select_n3A_611 : vector<1024x128xi1>, vector<1024x128xf32>
    %slice3A_625 = vector.extract_strided_slice %dot_general3A_546 {offsets = [0, 768], sizes = [1024, 128], strides = [1, 1]} : vector<1024x1024xf32> to vector<1024x128xf32>
    %add3A_626 = vector.broadcast %get3A_6 : vector<1024x1xf32> to vector<1024x128xf32>
    %add3A_627 = arith.addf %add3A_626, %slice3A_625 : vector<1024x128xf32>
    %get3A_628 = arith.constant 0 : index
    %get3A_629 = arith.constant 5888 : index
    %get3A_630 = vector.load %arg3[%get3A_628, %get3A_629] : memref<1x8192xf32, #tpu.memory_space<vmem>>, vector<1x128xf32>
    %add3A_631 = vector.broadcast %get3A_630 : vector<1x128xf32> to vector<1024x128xf32>
    %add3A_632 = arith.addf %add3A_627, %add3A_631 : vector<1024x128xf32>
    %lt3A_633 = arith.cmpf olt, %add3A_632, %select_n3A_621 : vector<1024x128xf32>
    %select_n3A_634 = arith.select %lt3A_633, %add3A_632, %select_n3A_621 : vector<1024x128xi1>, vector<1024x128xf32>
    %jit3A_635 = arith.constant 4.600000e+01 : f32
    %broadcast_in_dim3A_636 = vector.broadcast %jit3A_635 : f32 to vector<1024x128xf32>
    %select_n3A_637 = arith.select %lt3A_633, %broadcast_in_dim3A_636, %select_n3A_624 : vector<1024x128xi1>, vector<1024x128xf32>
    %slice3A_638 = vector.extract_strided_slice %dot_general3A_546 {offsets = [0, 896], sizes = [1024, 128], strides = [1, 1]} : vector<1024x1024xf32> to vector<1024x128xf32>
    %add3A_639 = vector.broadcast %get3A_6 : vector<1024x1xf32> to vector<1024x128xf32>
    %add3A_640 = arith.addf %add3A_639, %slice3A_638 : vector<1024x128xf32>
    %get3A_641 = arith.constant 0 : index
    %get3A_642 = arith.constant 6016 : index
    %get3A_643 = vector.load %arg3[%get3A_641, %get3A_642] : memref<1x8192xf32, #tpu.memory_space<vmem>>, vector<1x128xf32>
    %add3A_644 = vector.broadcast %get3A_643 : vector<1x128xf32> to vector<1024x128xf32>
    %add3A_645 = arith.addf %add3A_640, %add3A_644 : vector<1024x128xf32>
    %lt3A_646 = arith.cmpf olt, %add3A_645, %select_n3A_634 : vector<1024x128xf32>
    %select_n3A_647 = arith.select %lt3A_646, %add3A_645, %select_n3A_634 : vector<1024x128xi1>, vector<1024x128xf32>
    %jit3A_648 = arith.constant 4.700000e+01 : f32
    %broadcast_in_dim3A_649 = vector.broadcast %jit3A_648 : f32 to vector<1024x128xf32>
    %select_n3A_650 = arith.select %lt3A_646, %broadcast_in_dim3A_649, %select_n3A_637 : vector<1024x128xi1>, vector<1024x128xf32>
    %get3A_651 = arith.constant 6144 : index
    %get3A_652 = arith.constant 0 : index
    %get3A_653 = vector.load %arg5[%get3A_651, %get3A_652] : memref<8192x256xf32, #tpu.memory_space<vmem>>, vector<1024x256xf32>
    %dot_general3A_654 = arith.constant dense<0.000000e+00> : vector<1024x1024xf32>
    %dot_general3A_655 = tpu.matmul %mul3A_3, %get3A_653, %dot_general3A_654 {dimension_numbers = #tpu.dot_dimension_numbers<[1], [1], [0], [0], [0, 0, 1, 0], [], []>, transpose_lhs_hint = false} : vector<1024x256xf32>, vector<1024x256xf32>, vector<1024x1024xf32> -> vector<1024x1024xf32>
    %slice3A_656 = vector.extract_strided_slice %dot_general3A_655 {offsets = [0, 0], sizes = [1024, 128], strides = [1, 1]} : vector<1024x1024xf32> to vector<1024x128xf32>
    %add3A_657 = vector.broadcast %get3A_6 : vector<1024x1xf32> to vector<1024x128xf32>
    %add3A_658 = arith.addf %add3A_657, %slice3A_656 : vector<1024x128xf32>
    %get3A_659 = arith.constant 0 : index
    %get3A_660 = arith.constant 6144 : index
    %get3A_661 = vector.load %arg3[%get3A_659, %get3A_660] : memref<1x8192xf32, #tpu.memory_space<vmem>>, vector<1x128xf32>
    %add3A_662 = vector.broadcast %get3A_661 : vector<1x128xf32> to vector<1024x128xf32>
    %add3A_663 = arith.addf %add3A_658, %add3A_662 : vector<1024x128xf32>
    %lt3A_664 = arith.cmpf olt, %add3A_663, %select_n3A_647 : vector<1024x128xf32>
    %select_n3A_665 = arith.select %lt3A_664, %add3A_663, %select_n3A_647 : vector<1024x128xi1>, vector<1024x128xf32>
    %jit3A_666 = arith.constant 4.800000e+01 : f32
    %broadcast_in_dim3A_667 = vector.broadcast %jit3A_666 : f32 to vector<1024x128xf32>
    %select_n3A_668 = arith.select %lt3A_664, %broadcast_in_dim3A_667, %select_n3A_650 : vector<1024x128xi1>, vector<1024x128xf32>
    %slice3A_669 = vector.extract_strided_slice %dot_general3A_655 {offsets = [0, 128], sizes = [1024, 128], strides = [1, 1]} : vector<1024x1024xf32> to vector<1024x128xf32>
    %add3A_670 = vector.broadcast %get3A_6 : vector<1024x1xf32> to vector<1024x128xf32>
    %add3A_671 = arith.addf %add3A_670, %slice3A_669 : vector<1024x128xf32>
    %get3A_672 = arith.constant 0 : index
    %get3A_673 = arith.constant 6272 : index
    %get3A_674 = vector.load %arg3[%get3A_672, %get3A_673] : memref<1x8192xf32, #tpu.memory_space<vmem>>, vector<1x128xf32>
    %add3A_675 = vector.broadcast %get3A_674 : vector<1x128xf32> to vector<1024x128xf32>
    %add3A_676 = arith.addf %add3A_671, %add3A_675 : vector<1024x128xf32>
    %lt3A_677 = arith.cmpf olt, %add3A_676, %select_n3A_665 : vector<1024x128xf32>
    %select_n3A_678 = arith.select %lt3A_677, %add3A_676, %select_n3A_665 : vector<1024x128xi1>, vector<1024x128xf32>
    %jit3A_679 = arith.constant 4.900000e+01 : f32
    %broadcast_in_dim3A_680 = vector.broadcast %jit3A_679 : f32 to vector<1024x128xf32>
    %select_n3A_681 = arith.select %lt3A_677, %broadcast_in_dim3A_680, %select_n3A_668 : vector<1024x128xi1>, vector<1024x128xf32>
    %slice3A_682 = vector.extract_strided_slice %dot_general3A_655 {offsets = [0, 256], sizes = [1024, 128], strides = [1, 1]} : vector<1024x1024xf32> to vector<1024x128xf32>
    %add3A_683 = vector.broadcast %get3A_6 : vector<1024x1xf32> to vector<1024x128xf32>
    %add3A_684 = arith.addf %add3A_683, %slice3A_682 : vector<1024x128xf32>
    %get3A_685 = arith.constant 0 : index
    %get3A_686 = arith.constant 6400 : index
    %get3A_687 = vector.load %arg3[%get3A_685, %get3A_686] : memref<1x8192xf32, #tpu.memory_space<vmem>>, vector<1x128xf32>
    %add3A_688 = vector.broadcast %get3A_687 : vector<1x128xf32> to vector<1024x128xf32>
    %add3A_689 = arith.addf %add3A_684, %add3A_688 : vector<1024x128xf32>
    %lt3A_690 = arith.cmpf olt, %add3A_689, %select_n3A_678 : vector<1024x128xf32>
    %select_n3A_691 = arith.select %lt3A_690, %add3A_689, %select_n3A_678 : vector<1024x128xi1>, vector<1024x128xf32>
    %jit3A_692 = arith.constant 5.000000e+01 : f32
    %broadcast_in_dim3A_693 = vector.broadcast %jit3A_692 : f32 to vector<1024x128xf32>
    %select_n3A_694 = arith.select %lt3A_690, %broadcast_in_dim3A_693, %select_n3A_681 : vector<1024x128xi1>, vector<1024x128xf32>
    %slice3A_695 = vector.extract_strided_slice %dot_general3A_655 {offsets = [0, 384], sizes = [1024, 128], strides = [1, 1]} : vector<1024x1024xf32> to vector<1024x128xf32>
    %add3A_696 = vector.broadcast %get3A_6 : vector<1024x1xf32> to vector<1024x128xf32>
    %add3A_697 = arith.addf %add3A_696, %slice3A_695 : vector<1024x128xf32>
    %get3A_698 = arith.constant 0 : index
    %get3A_699 = arith.constant 6528 : index
    %get3A_700 = vector.load %arg3[%get3A_698, %get3A_699] : memref<1x8192xf32, #tpu.memory_space<vmem>>, vector<1x128xf32>
    %add3A_701 = vector.broadcast %get3A_700 : vector<1x128xf32> to vector<1024x128xf32>
    %add3A_702 = arith.addf %add3A_697, %add3A_701 : vector<1024x128xf32>
    %lt3A_703 = arith.cmpf olt, %add3A_702, %select_n3A_691 : vector<1024x128xf32>
    %select_n3A_704 = arith.select %lt3A_703, %add3A_702, %select_n3A_691 : vector<1024x128xi1>, vector<1024x128xf32>
    %jit3A_705 = arith.constant 5.100000e+01 : f32
    %broadcast_in_dim3A_706 = vector.broadcast %jit3A_705 : f32 to vector<1024x128xf32>
    %select_n3A_707 = arith.select %lt3A_703, %broadcast_in_dim3A_706, %select_n3A_694 : vector<1024x128xi1>, vector<1024x128xf32>
    %slice3A_708 = vector.extract_strided_slice %dot_general3A_655 {offsets = [0, 512], sizes = [1024, 128], strides = [1, 1]} : vector<1024x1024xf32> to vector<1024x128xf32>
    %add3A_709 = vector.broadcast %get3A_6 : vector<1024x1xf32> to vector<1024x128xf32>
    %add3A_710 = arith.addf %add3A_709, %slice3A_708 : vector<1024x128xf32>
    %get3A_711 = arith.constant 0 : index
    %get3A_712 = arith.constant 6656 : index
    %get3A_713 = vector.load %arg3[%get3A_711, %get3A_712] : memref<1x8192xf32, #tpu.memory_space<vmem>>, vector<1x128xf32>
    %add3A_714 = vector.broadcast %get3A_713 : vector<1x128xf32> to vector<1024x128xf32>
    %add3A_715 = arith.addf %add3A_710, %add3A_714 : vector<1024x128xf32>
    %lt3A_716 = arith.cmpf olt, %add3A_715, %select_n3A_704 : vector<1024x128xf32>
    %select_n3A_717 = arith.select %lt3A_716, %add3A_715, %select_n3A_704 : vector<1024x128xi1>, vector<1024x128xf32>
    %jit3A_718 = arith.constant 5.200000e+01 : f32
    %broadcast_in_dim3A_719 = vector.broadcast %jit3A_718 : f32 to vector<1024x128xf32>
    %select_n3A_720 = arith.select %lt3A_716, %broadcast_in_dim3A_719, %select_n3A_707 : vector<1024x128xi1>, vector<1024x128xf32>
    %slice3A_721 = vector.extract_strided_slice %dot_general3A_655 {offsets = [0, 640], sizes = [1024, 128], strides = [1, 1]} : vector<1024x1024xf32> to vector<1024x128xf32>
    %add3A_722 = vector.broadcast %get3A_6 : vector<1024x1xf32> to vector<1024x128xf32>
    %add3A_723 = arith.addf %add3A_722, %slice3A_721 : vector<1024x128xf32>
    %get3A_724 = arith.constant 0 : index
    %get3A_725 = arith.constant 6784 : index
    %get3A_726 = vector.load %arg3[%get3A_724, %get3A_725] : memref<1x8192xf32, #tpu.memory_space<vmem>>, vector<1x128xf32>
    %add3A_727 = vector.broadcast %get3A_726 : vector<1x128xf32> to vector<1024x128xf32>
    %add3A_728 = arith.addf %add3A_723, %add3A_727 : vector<1024x128xf32>
    %lt3A_729 = arith.cmpf olt, %add3A_728, %select_n3A_717 : vector<1024x128xf32>
    %select_n3A_730 = arith.select %lt3A_729, %add3A_728, %select_n3A_717 : vector<1024x128xi1>, vector<1024x128xf32>
    %jit3A_731 = arith.constant 5.300000e+01 : f32
    %broadcast_in_dim3A_732 = vector.broadcast %jit3A_731 : f32 to vector<1024x128xf32>
    %select_n3A_733 = arith.select %lt3A_729, %broadcast_in_dim3A_732, %select_n3A_720 : vector<1024x128xi1>, vector<1024x128xf32>
    %slice3A_734 = vector.extract_strided_slice %dot_general3A_655 {offsets = [0, 768], sizes = [1024, 128], strides = [1, 1]} : vector<1024x1024xf32> to vector<1024x128xf32>
    %add3A_735 = vector.broadcast %get3A_6 : vector<1024x1xf32> to vector<1024x128xf32>
    %add3A_736 = arith.addf %add3A_735, %slice3A_734 : vector<1024x128xf32>
    %get3A_737 = arith.constant 0 : index
    %get3A_738 = arith.constant 6912 : index
    %get3A_739 = vector.load %arg3[%get3A_737, %get3A_738] : memref<1x8192xf32, #tpu.memory_space<vmem>>, vector<1x128xf32>
    %add3A_740 = vector.broadcast %get3A_739 : vector<1x128xf32> to vector<1024x128xf32>
    %add3A_741 = arith.addf %add3A_736, %add3A_740 : vector<1024x128xf32>
    %lt3A_742 = arith.cmpf olt, %add3A_741, %select_n3A_730 : vector<1024x128xf32>
    %select_n3A_743 = arith.select %lt3A_742, %add3A_741, %select_n3A_730 : vector<1024x128xi1>, vector<1024x128xf32>
    %jit3A_744 = arith.constant 5.400000e+01 : f32
    %broadcast_in_dim3A_745 = vector.broadcast %jit3A_744 : f32 to vector<1024x128xf32>
    %select_n3A_746 = arith.select %lt3A_742, %broadcast_in_dim3A_745, %select_n3A_733 : vector<1024x128xi1>, vector<1024x128xf32>
    %slice3A_747 = vector.extract_strided_slice %dot_general3A_655 {offsets = [0, 896], sizes = [1024, 128], strides = [1, 1]} : vector<1024x1024xf32> to vector<1024x128xf32>
    %add3A_748 = vector.broadcast %get3A_6 : vector<1024x1xf32> to vector<1024x128xf32>
    %add3A_749 = arith.addf %add3A_748, %slice3A_747 : vector<1024x128xf32>
    %get3A_750 = arith.constant 0 : index
    %get3A_751 = arith.constant 7040 : index
    %get3A_752 = vector.load %arg3[%get3A_750, %get3A_751] : memref<1x8192xf32, #tpu.memory_space<vmem>>, vector<1x128xf32>
    %add3A_753 = vector.broadcast %get3A_752 : vector<1x128xf32> to vector<1024x128xf32>
    %add3A_754 = arith.addf %add3A_749, %add3A_753 : vector<1024x128xf32>
    %lt3A_755 = arith.cmpf olt, %add3A_754, %select_n3A_743 : vector<1024x128xf32>
    %select_n3A_756 = arith.select %lt3A_755, %add3A_754, %select_n3A_743 : vector<1024x128xi1>, vector<1024x128xf32>
    %jit3A_757 = arith.constant 5.500000e+01 : f32
    %broadcast_in_dim3A_758 = vector.broadcast %jit3A_757 : f32 to vector<1024x128xf32>
    %select_n3A_759 = arith.select %lt3A_755, %broadcast_in_dim3A_758, %select_n3A_746 : vector<1024x128xi1>, vector<1024x128xf32>
    %get3A_760 = arith.constant 7168 : index
    %get3A_761 = arith.constant 0 : index
    %get3A_762 = vector.load %arg5[%get3A_760, %get3A_761] : memref<8192x256xf32, #tpu.memory_space<vmem>>, vector<1024x256xf32>
    %dot_general3A_763 = arith.constant dense<0.000000e+00> : vector<1024x1024xf32>
    %dot_general3A_764 = tpu.matmul %mul3A_3, %get3A_762, %dot_general3A_763 {dimension_numbers = #tpu.dot_dimension_numbers<[1], [1], [0], [0], [0, 0, 1, 0], [], []>, transpose_lhs_hint = false} : vector<1024x256xf32>, vector<1024x256xf32>, vector<1024x1024xf32> -> vector<1024x1024xf32>
    %slice3A_765 = vector.extract_strided_slice %dot_general3A_764 {offsets = [0, 0], sizes = [1024, 128], strides = [1, 1]} : vector<1024x1024xf32> to vector<1024x128xf32>
    %add3A_766 = vector.broadcast %get3A_6 : vector<1024x1xf32> to vector<1024x128xf32>
    %add3A_767 = arith.addf %add3A_766, %slice3A_765 : vector<1024x128xf32>
    %get3A_768 = arith.constant 0 : index
    %get3A_769 = arith.constant 7168 : index
    %get3A_770 = vector.load %arg3[%get3A_768, %get3A_769] : memref<1x8192xf32, #tpu.memory_space<vmem>>, vector<1x128xf32>
    %add3A_771 = vector.broadcast %get3A_770 : vector<1x128xf32> to vector<1024x128xf32>
    %add3A_772 = arith.addf %add3A_767, %add3A_771 : vector<1024x128xf32>
    %lt3A_773 = arith.cmpf olt, %add3A_772, %select_n3A_756 : vector<1024x128xf32>
    %select_n3A_774 = arith.select %lt3A_773, %add3A_772, %select_n3A_756 : vector<1024x128xi1>, vector<1024x128xf32>
    %jit3A_775 = arith.constant 5.600000e+01 : f32
    %broadcast_in_dim3A_776 = vector.broadcast %jit3A_775 : f32 to vector<1024x128xf32>
    %select_n3A_777 = arith.select %lt3A_773, %broadcast_in_dim3A_776, %select_n3A_759 : vector<1024x128xi1>, vector<1024x128xf32>
    %slice3A_778 = vector.extract_strided_slice %dot_general3A_764 {offsets = [0, 128], sizes = [1024, 128], strides = [1, 1]} : vector<1024x1024xf32> to vector<1024x128xf32>
    %add3A_779 = vector.broadcast %get3A_6 : vector<1024x1xf32> to vector<1024x128xf32>
    %add3A_780 = arith.addf %add3A_779, %slice3A_778 : vector<1024x128xf32>
    %get3A_781 = arith.constant 0 : index
    %get3A_782 = arith.constant 7296 : index
    %get3A_783 = vector.load %arg3[%get3A_781, %get3A_782] : memref<1x8192xf32, #tpu.memory_space<vmem>>, vector<1x128xf32>
    %add3A_784 = vector.broadcast %get3A_783 : vector<1x128xf32> to vector<1024x128xf32>
    %add3A_785 = arith.addf %add3A_780, %add3A_784 : vector<1024x128xf32>
    %lt3A_786 = arith.cmpf olt, %add3A_785, %select_n3A_774 : vector<1024x128xf32>
    %select_n3A_787 = arith.select %lt3A_786, %add3A_785, %select_n3A_774 : vector<1024x128xi1>, vector<1024x128xf32>
    %jit3A_788 = arith.constant 5.700000e+01 : f32
    %broadcast_in_dim3A_789 = vector.broadcast %jit3A_788 : f32 to vector<1024x128xf32>
    %select_n3A_790 = arith.select %lt3A_786, %broadcast_in_dim3A_789, %select_n3A_777 : vector<1024x128xi1>, vector<1024x128xf32>
    %slice3A_791 = vector.extract_strided_slice %dot_general3A_764 {offsets = [0, 256], sizes = [1024, 128], strides = [1, 1]} : vector<1024x1024xf32> to vector<1024x128xf32>
    %add3A_792 = vector.broadcast %get3A_6 : vector<1024x1xf32> to vector<1024x128xf32>
    %add3A_793 = arith.addf %add3A_792, %slice3A_791 : vector<1024x128xf32>
    %get3A_794 = arith.constant 0 : index
    %get3A_795 = arith.constant 7424 : index
    %get3A_796 = vector.load %arg3[%get3A_794, %get3A_795] : memref<1x8192xf32, #tpu.memory_space<vmem>>, vector<1x128xf32>
    %add3A_797 = vector.broadcast %get3A_796 : vector<1x128xf32> to vector<1024x128xf32>
    %add3A_798 = arith.addf %add3A_793, %add3A_797 : vector<1024x128xf32>
    %lt3A_799 = arith.cmpf olt, %add3A_798, %select_n3A_787 : vector<1024x128xf32>
    %select_n3A_800 = arith.select %lt3A_799, %add3A_798, %select_n3A_787 : vector<1024x128xi1>, vector<1024x128xf32>
    %jit3A_801 = arith.constant 5.800000e+01 : f32
    %broadcast_in_dim3A_802 = vector.broadcast %jit3A_801 : f32 to vector<1024x128xf32>
    %select_n3A_803 = arith.select %lt3A_799, %broadcast_in_dim3A_802, %select_n3A_790 : vector<1024x128xi1>, vector<1024x128xf32>
    %slice3A_804 = vector.extract_strided_slice %dot_general3A_764 {offsets = [0, 384], sizes = [1024, 128], strides = [1, 1]} : vector<1024x1024xf32> to vector<1024x128xf32>
    %add3A_805 = vector.broadcast %get3A_6 : vector<1024x1xf32> to vector<1024x128xf32>
    %add3A_806 = arith.addf %add3A_805, %slice3A_804 : vector<1024x128xf32>
    %get3A_807 = arith.constant 0 : index
    %get3A_808 = arith.constant 7552 : index
    %get3A_809 = vector.load %arg3[%get3A_807, %get3A_808] : memref<1x8192xf32, #tpu.memory_space<vmem>>, vector<1x128xf32>
    %add3A_810 = vector.broadcast %get3A_809 : vector<1x128xf32> to vector<1024x128xf32>
    %add3A_811 = arith.addf %add3A_806, %add3A_810 : vector<1024x128xf32>
    %lt3A_812 = arith.cmpf olt, %add3A_811, %select_n3A_800 : vector<1024x128xf32>
    %select_n3A_813 = arith.select %lt3A_812, %add3A_811, %select_n3A_800 : vector<1024x128xi1>, vector<1024x128xf32>
    %jit3A_814 = arith.constant 5.900000e+01 : f32
    %broadcast_in_dim3A_815 = vector.broadcast %jit3A_814 : f32 to vector<1024x128xf32>
    %select_n3A_816 = arith.select %lt3A_812, %broadcast_in_dim3A_815, %select_n3A_803 : vector<1024x128xi1>, vector<1024x128xf32>
    %slice3A_817 = vector.extract_strided_slice %dot_general3A_764 {offsets = [0, 512], sizes = [1024, 128], strides = [1, 1]} : vector<1024x1024xf32> to vector<1024x128xf32>
    %add3A_818 = vector.broadcast %get3A_6 : vector<1024x1xf32> to vector<1024x128xf32>
    %add3A_819 = arith.addf %add3A_818, %slice3A_817 : vector<1024x128xf32>
    %get3A_820 = arith.constant 0 : index
    %get3A_821 = arith.constant 7680 : index
    %get3A_822 = vector.load %arg3[%get3A_820, %get3A_821] : memref<1x8192xf32, #tpu.memory_space<vmem>>, vector<1x128xf32>
    %add3A_823 = vector.broadcast %get3A_822 : vector<1x128xf32> to vector<1024x128xf32>
    %add3A_824 = arith.addf %add3A_819, %add3A_823 : vector<1024x128xf32>
    %lt3A_825 = arith.cmpf olt, %add3A_824, %select_n3A_813 : vector<1024x128xf32>
    %select_n3A_826 = arith.select %lt3A_825, %add3A_824, %select_n3A_813 : vector<1024x128xi1>, vector<1024x128xf32>
    %jit3A_827 = arith.constant 6.000000e+01 : f32
    %broadcast_in_dim3A_828 = vector.broadcast %jit3A_827 : f32 to vector<1024x128xf32>
    %select_n3A_829 = arith.select %lt3A_825, %broadcast_in_dim3A_828, %select_n3A_816 : vector<1024x128xi1>, vector<1024x128xf32>
    %slice3A_830 = vector.extract_strided_slice %dot_general3A_764 {offsets = [0, 640], sizes = [1024, 128], strides = [1, 1]} : vector<1024x1024xf32> to vector<1024x128xf32>
    %add3A_831 = vector.broadcast %get3A_6 : vector<1024x1xf32> to vector<1024x128xf32>
    %add3A_832 = arith.addf %add3A_831, %slice3A_830 : vector<1024x128xf32>
    %get3A_833 = arith.constant 0 : index
    %get3A_834 = arith.constant 7808 : index
    %get3A_835 = vector.load %arg3[%get3A_833, %get3A_834] : memref<1x8192xf32, #tpu.memory_space<vmem>>, vector<1x128xf32>
    %add3A_836 = vector.broadcast %get3A_835 : vector<1x128xf32> to vector<1024x128xf32>
    %add3A_837 = arith.addf %add3A_832, %add3A_836 : vector<1024x128xf32>
    %lt3A_838 = arith.cmpf olt, %add3A_837, %select_n3A_826 : vector<1024x128xf32>
    %select_n3A_839 = arith.select %lt3A_838, %add3A_837, %select_n3A_826 : vector<1024x128xi1>, vector<1024x128xf32>
    %jit3A_840 = arith.constant 6.100000e+01 : f32
    %broadcast_in_dim3A_841 = vector.broadcast %jit3A_840 : f32 to vector<1024x128xf32>
    %select_n3A_842 = arith.select %lt3A_838, %broadcast_in_dim3A_841, %select_n3A_829 : vector<1024x128xi1>, vector<1024x128xf32>
    %slice3A_843 = vector.extract_strided_slice %dot_general3A_764 {offsets = [0, 768], sizes = [1024, 128], strides = [1, 1]} : vector<1024x1024xf32> to vector<1024x128xf32>
    %add3A_844 = vector.broadcast %get3A_6 : vector<1024x1xf32> to vector<1024x128xf32>
    %add3A_845 = arith.addf %add3A_844, %slice3A_843 : vector<1024x128xf32>
    %get3A_846 = arith.constant 0 : index
    %get3A_847 = arith.constant 7936 : index
    %get3A_848 = vector.load %arg3[%get3A_846, %get3A_847] : memref<1x8192xf32, #tpu.memory_space<vmem>>, vector<1x128xf32>
    %add3A_849 = vector.broadcast %get3A_848 : vector<1x128xf32> to vector<1024x128xf32>
    %add3A_850 = arith.addf %add3A_845, %add3A_849 : vector<1024x128xf32>
    %lt3A_851 = arith.cmpf olt, %add3A_850, %select_n3A_839 : vector<1024x128xf32>
    %select_n3A_852 = arith.select %lt3A_851, %add3A_850, %select_n3A_839 : vector<1024x128xi1>, vector<1024x128xf32>
    %jit3A_853 = arith.constant 6.200000e+01 : f32
    %broadcast_in_dim3A_854 = vector.broadcast %jit3A_853 : f32 to vector<1024x128xf32>
    %select_n3A_855 = arith.select %lt3A_851, %broadcast_in_dim3A_854, %select_n3A_842 : vector<1024x128xi1>, vector<1024x128xf32>
    %slice3A_856 = vector.extract_strided_slice %dot_general3A_764 {offsets = [0, 896], sizes = [1024, 128], strides = [1, 1]} : vector<1024x1024xf32> to vector<1024x128xf32>
    %add3A_857 = vector.broadcast %get3A_6 : vector<1024x1xf32> to vector<1024x128xf32>
    %add3A_858 = arith.addf %add3A_857, %slice3A_856 : vector<1024x128xf32>
    %get3A_859 = arith.constant 0 : index
    %get3A_860 = arith.constant 8064 : index
    %get3A_861 = vector.load %arg3[%get3A_859, %get3A_860] : memref<1x8192xf32, #tpu.memory_space<vmem>>, vector<1x128xf32>
    %add3A_862 = vector.broadcast %get3A_861 : vector<1x128xf32> to vector<1024x128xf32>
    %add3A_863 = arith.addf %add3A_858, %add3A_862 : vector<1024x128xf32>
    %lt3A_864 = arith.cmpf olt, %add3A_863, %select_n3A_852 : vector<1024x128xf32>
    %select_n3A_865 = arith.select %lt3A_864, %add3A_863, %select_n3A_852 : vector<1024x128xi1>, vector<1024x128xf32>
    %jit3A_866 = arith.constant 6.300000e+01 : f32
    %broadcast_in_dim3A_867 = vector.broadcast %jit3A_866 : f32 to vector<1024x128xf32>
    %select_n3A_868 = arith.select %lt3A_864, %broadcast_in_dim3A_867, %select_n3A_855 : vector<1024x128xi1>, vector<1024x128xf32>
    %reduce_min3A = arith.constant dense<0x7F800000> : vector<1024xf32>
    %reduce_min3A_869 = vector.multi_reduction <minimumf>, %select_n3A_865, %reduce_min3A [1] : vector<1024x128xf32> to vector<1024xf32>
    %broadcast_in_dim3A_870 = vector.shape_cast %reduce_min3A_869 : vector<1024xf32> to vector<1024x1xf32>
    %iota3A = tpu.iota {dimensions = array<i32: 1>} : vector<1024x128xi32>
    %convert_element_type3A = arith.sitofp %iota3A : vector<1024x128xi32> to vector<1024x128xf32>
    %mul3A_871 = arith.constant 1.280000e+02 : f32
    %mul3A_872 = vector.broadcast %mul3A_871 : f32 to vector<1024x128xf32>
    %mul3A_873 = arith.mulf %select_n3A_868, %mul3A_872 : vector<1024x128xf32>
    %add3A_874 = arith.addf %mul3A_873, %convert_element_type3A : vector<1024x128xf32>
    %eq3A = vector.broadcast %broadcast_in_dim3A_870 : vector<1024x1xf32> to vector<1024x128xf32>
    %eq3A_875 = arith.cmpf oeq, %select_n3A_865, %eq3A : vector<1024x128xf32>
    %jit3A_876 = arith.constant 3.000000e+38 : f32
    %broadcast_in_dim3A_877 = vector.broadcast %jit3A_876 : f32 to vector<1024x128xf32>
    %select_n3A_878 = arith.select %eq3A_875, %add3A_874, %broadcast_in_dim3A_877 : vector<1024x128xi1>, vector<1024x128xf32>
    %reduce_min3A_879 = arith.constant dense<0x7F800000> : vector<1024xf32>
    %reduce_min3A_880 = vector.multi_reduction <minimumf>, %select_n3A_878, %reduce_min3A_879 [1] : vector<1024x128xf32> to vector<1024xf32>
    %broadcast_in_dim3A_881 = vector.shape_cast %reduce_min3A_880 : vector<1024xf32> to vector<1024x1xf32>
    %convert_element_type3A_882 = arith.fptosi %broadcast_in_dim3A_881 : vector<1024x1xf32> to vector<1024x1xi32>
    %mul3A_883 = arith.constant 8192 : i32
    %mul3A_884 = arith.muli %arg1, %mul3A_883 : i32
    %add3A_885 = vector.broadcast %mul3A_884 : i32 to vector<1024x1xi32>
    %add3A_886 = arith.addi %convert_element_type3A_882, %add3A_885 : vector<1024x1xi32>
    %eq3A_887 = arith.constant 0 : i32
    %eq3A_888 = arith.cmpi eq, %arg1, %eq3A_887 : i32
    %convert_element_type3A_889 = arith.extui %eq3A_888 : i1 to i32
    %cond3A = arith.constant 0 : i32
    %cond3A_890 = arith.cmpi ne, %convert_element_type3A_889, %cond3A : i32
    scf.if %cond3A_890 {
      %swap3A = arith.constant 0 : index
      %swap3A_900 = arith.constant 0 : index
      %swap3A_901 = vector.load %arg6[%swap3A, %swap3A_900] : memref<1024x1xi32, #tpu.memory_space<vmem>>, vector<1024x1xi32>
      tpu.vector_store %arg6[%swap3A, %swap3A_900], %add3A_886 {strides = array<i32>} : memref<1024x1xi32, #tpu.memory_space<vmem>>, vector<1024x1xi32>,
      %swap3A_902 = arith.constant 0 : index
      %swap3A_903 = arith.constant 0 : index
      %swap3A_904 = vector.load %arg7[%swap3A_902, %swap3A_903] : memref<1024x1xf32, #tpu.memory_space<vmem>>, vector<1024x1xf32>
      tpu.vector_store %arg7[%swap3A_902, %swap3A_903], %broadcast_in_dim3A_870 {strides = array<i32>} : memref<1024x1xf32, #tpu.memory_space<vmem>>, vector<1024x1xf32>,
    } else {
    }
    %gt3A = arith.constant 0 : i32
    %gt3A_891 = arith.cmpi sgt, %arg1, %gt3A : i32
    %convert_element_type3A_892 = arith.extui %gt3A_891 : i1 to i32
    %cond3A_893 = arith.constant 0 : i32
    %cond3A_894 = arith.cmpi ne, %convert_element_type3A_892, %cond3A_893 : i32
    scf.if %cond3A_894 {
      %get3A_900 = arith.constant 0 : index
      %get3A_901 = arith.constant 0 : index
      %get3A_902 = vector.load %arg7[%get3A_900, %get3A_901] : memref<1024x1xf32, #tpu.memory_space<vmem>>, vector<1024x1xf32>
      %lt3A_903 = arith.cmpf olt, %broadcast_in_dim3A_870, %get3A_902 : vector<1024x1xf32>
      %get3A_904 = arith.constant 0 : index
      %get3A_905 = arith.constant 0 : index
      %get3A_906 = vector.load %arg6[%get3A_904, %get3A_905] : memref<1024x1xi32, #tpu.memory_space<vmem>>, vector<1024x1xi32>
      %select_n3A_907 = arith.select %lt3A_903, %add3A_886, %get3A_906 : vector<1024x1xi1>, vector<1024x1xi32>
      %swap3A = arith.constant 0 : index
      %swap3A_908 = arith.constant 0 : index
      %swap3A_909 = vector.load %arg6[%swap3A, %swap3A_908] : memref<1024x1xi32, #tpu.memory_space<vmem>>, vector<1024x1xi32>
      tpu.vector_store %arg6[%swap3A, %swap3A_908], %select_n3A_907 {strides = array<i32>} : memref<1024x1xi32, #tpu.memory_space<vmem>>, vector<1024x1xi32>,
      %get3A_910 = arith.constant 0 : index
      %get3A_911 = arith.constant 0 : index
      %get3A_912 = vector.load %arg7[%get3A_910, %get3A_911] : memref<1024x1xf32, #tpu.memory_space<vmem>>, vector<1024x1xf32>
      %select_n3A_913 = arith.select %lt3A_903, %broadcast_in_dim3A_870, %get3A_912 : vector<1024x1xi1>, vector<1024x1xf32>
      %swap3A_914 = arith.constant 0 : index
      %swap3A_915 = arith.constant 0 : index
      %swap3A_916 = vector.load %arg7[%swap3A_914, %swap3A_915] : memref<1024x1xf32, #tpu.memory_space<vmem>>, vector<1024x1xf32>
      tpu.vector_store %arg7[%swap3A_914, %swap3A_915], %select_n3A_913 {strides = array<i32>} : memref<1024x1xf32, #tpu.memory_space<vmem>>, vector<1024x1xf32>,
    } else {
    }
    %eq3A_895 = arith.constant 0 : i32
    %eq3A_896 = arith.cmpi eq, %arg1, %eq3A_895 : i32
    %convert_element_type3A_897 = arith.extui %eq3A_896 : i1 to i32
    %cond3A_898 = arith.constant 0 : i32
    %cond3A_899 = arith.cmpi ne, %convert_element_type3A_897, %cond3A_898 : i32
    scf.if %cond3A_899 {
      %get3A_900 = arith.constant 0 : index
      %get3A_901 = arith.constant 0 : index
      %get3A_902 = vector.load %arg7[%get3A_900, %get3A_901] : memref<1024x1xf32, #tpu.memory_space<vmem>>, vector<1024x1xf32>
      %reduce_sum3A = vector.shape_cast %get3A_902 : vector<1024x1xf32> to vector<1x1024x1xf32>
      %reduce_sum3A_903 = arith.constant dense<0.000000e+00> : vector<1xf32>
      %reduce_sum3A_904 = vector.multi_reduction <add>, %reduce_sum3A, %reduce_sum3A_903 [1, 2] : vector<1x1024x1xf32> to vector<1xf32>
      %reduce_sum3A_905 = vector.shape_cast %reduce_sum3A_904 : vector<1xf32> to vector<1x1x1xf32>
      %reduce_sum3A_906 = vector.extract %reduce_sum3A_905[0, 0, 0] : f32 from vector<1x1x1xf32>
      %eq3A_907 = arith.constant 0 : i32
      %eq3A_908 = arith.cmpi eq, %arg0, %eq3A_907 : i32
      %broadcast_in_dim3A_909 = arith.constant 0.000000e+00 : f32
      %broadcast_in_dim3A_910 = vector.broadcast %broadcast_in_dim3A_909 : f32 to vector<1x1xf32>
      %get3A_911 = arith.constant 0 : index
      %get3A_912 = arith.constant 0 : index
      %get3A_913 = vector.load %arg8[%get3A_911, %get3A_912] : memref<1x1xf32, #tpu.memory_space<vmem>>, vector<1x1xf32>
      %select_n3A_914 = arith.select %eq3A_908, %broadcast_in_dim3A_910, %get3A_913 : vector<1x1xf32>
      %add3A_915 = vector.broadcast %reduce_sum3A_906 : f32 to vector<1x1xf32>
      %add3A_916 = arith.addf %select_n3A_914, %add3A_915 : vector<1x1xf32>
      %swap3A = arith.constant 0 : index
      %swap3A_917 = arith.constant 0 : index
      %swap3A_918 = vector.load %arg8[%swap3A, %swap3A_917] : memref<1x1xf32, #tpu.memory_space<vmem>>, vector<1x1xf32>
      tpu.vector_store %arg8[%swap3A, %swap3A_917], %add3A_916 {strides = array<i32>} : memref<1x1xf32, #tpu.memory_space<vmem>>, vector<1x1xf32>,
    } else {
    }
    return
  }
  func.func @transform_0(%arg0: i32, %arg1: i32) -> (i32, i32) {
    %c0_i32 = arith.constant 0 : i32
    %c0_i32_0 = arith.constant 0 : i32
    return %arg0, %c0_i32 : i32, i32
  }
  func.func @transform_1(%arg0: i32, %arg1: i32) -> (i32, i32) {
    %c0_i32 = arith.constant 0 : i32
    %c0_i32_0 = arith.constant 0 : i32
    return %c0_i32, %arg1 : i32, i32
  }
  func.func @transform_2(%arg0: i32, %arg1: i32) -> (i32, i32) {
    %c0_i32 = arith.constant 0 : i32
    %c0_i32_0 = arith.constant 0 : i32
    return %arg0, %c0_i32 : i32, i32
  }
  func.func @transform_3(%arg0: i32, %arg1: i32) -> (i32, i32) {
    %c0_i32 = arith.constant 0 : i32
    %c0_i32_0 = arith.constant 0 : i32
    return %arg1, %c0_i32 : i32, i32
  }
  func.func @transform_4(%arg0: i32, %arg1: i32) -> (i32, i32) {
    %c0_i32 = arith.constant 0 : i32
    %c0_i32_0 = arith.constant 0 : i32
    return %arg0, %c0_i32 : i32, i32
  }
  func.func @transform_5(%arg0: i32, %arg1: i32) -> (i32, i32) {
    %c0_i32 = arith.constant 0 : i32
    %c0_i32_0 = arith.constant 0 : i32
    return %arg0, %c0_i32 : i32, i32
  }
  func.func @transform_6(%arg0: i32, %arg1: i32) -> (i32, i32) {
    %c0_i32 = arith.constant 0 : i32
    %c0_i32_0 = arith.constant 0 : i32
    %c0_i32_1 = arith.constant 0 : i32
    return %c0_i32, %c0_i32_0 : i32, i32
  }
}

</mosaic_0001>

<sc_bundles>
// kernel: kernel.4.cloned.1.call-start
scs
__scs_entry_jumppad:
0x0: {  	(pc) =	sbr.rel $0x88, $3  }
0x1: {  	(tag) =	ssettag $0x0;
	lr =	simm.s32 $0x1  }
0x2: {  	[smem:$0x3F9F] =	sst lr;
	_ =	strace $0xD0000000  }
0x3: {  	_ = 	snop  }
0x4: {  	_ = 	snop  }
0x5: {  	_ = 	snop  }
0x6: {  	_ = 	snop  }
0x7: {  	_ = 	snop  }
__scs_overlays_trampoline_lowered:
0x8: {  	[smem:$0x3FAE] =	sst s0  }
0x9: {  	[smem:$0x3FAF] =	sst s1  }
0xa: {  	[smem:$0x3FB0] =	sst s2  }
0xb: {  	[smem:$0x3FB1] =	sst s3  }
0xc: {  	[smem:$0x3FB2] =	sst s4  }
0xd: {  	[smem:$0x3FB3] =	sst s5  }
0xe: {  	[smem:$0x3FB4] =	sst s6  }
0xf: {  	[smem:$0x3FB5] =	sst s7  }
0x10: {  	[smem:$0x3FB6] =	sst s8  }
0x11: {  	[smem:$0x3FB7] =	sst s9;
	s0 =	simm.s32 @!p0 $0x0  }
0x12: {  	s1 =	sld [smem:$0x3F9D];
	s0 =	simm.s32 @p0 $0x1  }
0x13: {  	[smem:$0x3FB8] =	sst s0;
	s0 =	simm.s32 @!p1 $0x0  }
0x14: {  	s2 =	sld [smem:$0x3F9C];
	s0 =	simm.s32 @p1 $0x1  }
0x15: {  	[smem:$0x3FB9] =	sst s0;
	s0 =	simm.s32 @!p2 $0x0  }
0x16: {  	s3 =	sld [smem:$0x3FDB];
	s0 =	simm.s32 @p2 $0x1  }
0x17: {  	s4 =	simm.s32 $0x1BF5;
	[smem:$0x3FBB] =	sst s0  }
0x18: {  	s0 =	sld [smem:$0x3F9E];
	_ =	swait.ge [sflag:s4], $0x0  }
0x19: {  	s7 =	sld [smem:$0x3F9F]  }
0x1a: {  	s8 =	sadd.s32 $0xFFFFE003, lr  }
0x1b: {  	s9 =	sadd.s32 $0xFFFFFEF7, lr;
	s5 =	simm.s32 $0xFFFFFFFF;
	p2 =	slt.u32 s8, $0xFFFFF086  }
0x1c: {  	p1 =	slt.u32 s9, $0xF7A;
	s5 =	simm.s32 @!p2 $0x0  }
0x1d: {  	s5 =	simm.s32 @p1 $0x1;
	p0 =	seq.s32 s7, s2  }
0x1e: {  	s7 =	smul.u32 @!p0 $0xF7A, s2;
	p2 =	seq.s32 @!p0 s5, $0x0  }
0x1f: {  	s9 =	smul.u32 $0xF7A, s1;
	s8 =	simm.s32 @!p0 $0x1BF5;
	p2 =	por !p2, p0  }
0x20: {  	[sflag:s8] =	ssyncset.s32 @!p0 $0xFFFFF086;
	s6 =	sadd.s32 @!p0 s3, s7;
	s7 =	simm.s32 @!p0 $0x108  }
0x21: {  	s3 =	sadd.s32 s3, s9;
	s6 =	sadd.s32 @!p0 $0x88, s6;
	s7 =	simm.s32 @p2 $0x1082  }
0x22: {  	[simem:s7], [sflag:s8] =	dma.local @!p0 [hbm:s6], $0xF7A  }
0x23: {  	s9 =	sor.u32 $0xD0000000, s2;
	s6 =	simm.s32 $0x108;
	_ =	swait.ge @!p0 [sflag:s8], $0x0  }
0x24: {  	s3 =	sadd.s32 $0x88, s3;
	s6 =	simm.s32 @!p1 $0x1082;
	[sflag:s4] =	ssyncset.s32 $0xFFFFF086  }
0x25: {  	[simem:s6], [sflag:s4] =	dma.local [hbm:s3], $0xF7A  }
0x26: {  	[smem:$0x3F9F] =	sst s1;
	(tag) =	ssettag s2;
	_ =	strace s9  }
0x27: {  	s1 =	sld [smem:$0x3FAF]  }
0x28: {  	s2 =	sld [smem:$0x3FB0]  }
0x29: {  	s4 =	sld [smem:$0x3FB2]  }
0x2a: {  	p0 =	seq.s32 s5, $0x0;
	s5 =	sld [smem:$0x3FB3]  }
0x2b: {  	s6 =	sld [smem:$0x3FB4]  }
0x2c: {  	s7 =	sld [smem:$0x3FB5]  }
0x2d: {  	s3 =	simm.s32 $0x108;
	s8 =	sld [smem:$0x3FB6]  }
0x2e: {  	s3 =	simm.s32 @!p0 $0x1082;
	s9 =	sld [smem:$0x3FB7]  }
0x2f: {  	lr =	sadd.s32 s0, s3;
	s0 =	sld [smem:$0x3FAE]  }
0x30: {  	s3 =	sld [smem:$0x3FB1]  }
0x31: {  	[smem:$0x3FBA] =	sst s10  }
0x32: {  	s10 =	sld [smem:$0x3FB8];
	_ =	sdelay $0x3  }
0x33: {  	p0 =	seq.s32 s10, $0x1;
	s10 =	sld [smem:$0x3FBA];
	_ =	sdelay $0x3  }
0x34: {  	[smem:$0x3FBA] =	sst s10  }
0x35: {  	s10 =	sld [smem:$0x3FB9];
	_ =	sdelay $0x3  }
0x36: {  	p1 =	seq.s32 s10, $0x1;
	s10 =	sld [smem:$0x3FBA];
	_ =	sdelay $0x3  }
0x37: {  	[smem:$0x3FBA] =	sst s10  }
0x38: {  	s10 =	sld [smem:$0x3FBB]  }
0x39: {  	_ = 	snop;
	(pc) =	sbr.ind lr, $3  }
0x3a: {  	_ = 	snop  }
0x3b: {  	_ = 	snop  }
0x3c: {  	p2 =	seq.s32 s10, $0x1;
	s10 =	sld [smem:$0x3FBA]  }
0x3d: {  	_ =	shalt  }
0x3e: {  	_ =	shalt  }
0x3f: {  	_ =	shalt  }
0x40: {  	_ =	shalt  }
0x41: {  	_ =	shalt  }
0x42: {  	_ =	shalt  }
0x43: {  	_ =	shalt  }
0x44: {  	_ =	shalt  }
0x45: {  	_ =	shalt  }
0x46: {  	_ =	shalt  }
0x47: {  	_ =	shalt  }
0x48: {  	_ =	shalt  }
0x49: {  	_ =	shalt  }
0x4a: {  	_ =	shalt  }
0x4b: {  	_ =	shalt  }
0x4c: {  	_ =	shalt  }
0x4d: {  	_ =	shalt  }
0x4e: {  	_ =	shalt  }
0x4f: {  	_ =	shalt  }
0x50: {  	_ =	shalt  }
0x51: {  	_ =	shalt  }
0x52: {  	_ =	shalt  }
0x53: {  	_ =	shalt  }
0x54: {  	_ =	shalt  }
0x55: {  	_ =	shalt  }
0x56: {  	_ =	shalt  }
0x57: {  	_ =	shalt  }
0x58: {  	_ =	shalt  }
0x59: {  	_ =	shalt  }
0x5a: {  	_ =	shalt  }
0x5b: {  	_ =	shalt  }
0x5c: {  	_ =	shalt  }
0x5d: {  	_ =	shalt  }
0x5e: {  	_ =	shalt  }
0x5f: {  	_ =	shalt  }
0x60: {  	_ =	shalt  }
0x61: {  	_ =	shalt  }
0x62: {  	_ =	shalt  }
0x63: {  	_ =	shalt  }
0x64: {  	_ =	shalt  }
0x65: {  	_ =	shalt  }
0x66: {  	_ =	shalt  }
0x67: {  	_ =	shalt  }
0x68: {  	_ =	shalt  }
0x69: {  	_ =	shalt  }
0x6a: {  	_ =	shalt  }
0x6b: {  	_ =	shalt  }
0x6c: {  	_ =	shalt  }
0x6d: {  	_ =	shalt  }
0x6e: {  	_ =	shalt  }
0x6f: {  	_ =	shalt  }
0x70: {  	_ =	shalt  }
0x71: {  	_ =	shalt  }
0x72: {  	_ =	shalt  }
0x73: {  	_ =	shalt  }
0x74: {  	_ =	shalt  }
0x75: {  	_ =	shalt  }
0x76: {  	_ =	shalt  }
0x77: {  	_ =	shalt  }
0x78: {  	_ =	shalt  }
0x79: {  	_ =	shalt  }
0x7a: {  	_ =	shalt  }
0x7b: {  	_ =	shalt  }
0x7c: {  	_ =	shalt  }
0x7d: {  	_ =	shalt  }
0x7e: {  	_ =	shalt  }
0x7f: {  	_ =	shalt  }
0x80: {  	_ =	shalt  }
0x81: {  	_ =	shalt  }
0x82: {  	_ =	shalt  }
0x83: {  	_ =	shalt  }
0x84: {  	_ =	shalt  }
0x85: {  	_ =	shalt  }
0x86: {  	_ =	shalt  }
0x87: {  	_ =	shalt  }
.Lfunc_end0:
.L_simem_size_0:
called_computation_lowered:
.L_overlay_start_0:
0x88: {  	s2 =	sld [smem:$0x3FD9]  }
0x89: {  	s3 =	sld [smem:$0x3FFE];
	_ =	sdelay $0x1  }
0x8a: {  	s1 =	srdreg.scid  }
0x8b: {  	s0 =	sand.u32 $0x1, s1  }
0x8c: {  	s15 =	sshll.u32 s0, $0xA;
	s2 =	sadd.s32 s3, s2  }
0x8d: {  	s2 =	sadd.s32 s2, s15  }
0x8e: {  	[smem:$0x3FC6] =	sst s2  }
0x8f: {  	_ = 	snop  }
0x90: {  	s2 =	sld [smem:$0x3FD0];
	_ =	sdelay $0x2  }
0x91: {  	s4 =	simm.s32 $0xA;
	s5 =	simm.s32 $0x10;
	s16 =	sld [smem:$0x3FC8]  }
0x92: {  	[smem:s5], [sflag:s4] =	dma.local [hbm:s2], $0x1  }
0x93: {  	_ =	swait.eq [sflag:s4], $0x1  }
0x94: {  	[sflag:s4] =	ssyncset.done $0x0  }
0x95: {  	s17 =	sld [smem:$0x10];
	[sflag:s4] =	ssyncadd.s32 $0xFFFFFFFF  }
0x96: {  	s18 =	sld [smem:$0x11];
	(tm) =	ssettm $0x1  }
0x97: {  	s19 =	sld [smem:$0x3FFB];
	_ =	sdelay $0x3  }
0x98: {  	_ =	strace s19  }
0x99: {  	s5 =	sld [smem:$0x3FFC];
	_ =	sdelay $0x3  }
0x9a: {  	_ =	strace s5  }
0x9b: {  	s5 =	sld [smem:$0x3FFD];
	_ =	sdelay $0x3  }
0x9c: {  	_ =	strace s5  }
0x9d: {  	_ =	strace $0x8FFFFFFF  }
0x9e: {  	s20 =	sld [smem:$0x3FDB];
	_ =	sdelay $0x1  }
0x9f: {  	s6 =	simm.s32 $_scs_section_size  }
0xa0: {  	s7 =	simm.s32 $_size__tile_overlayer_lowered;
	s8 =	simm.s32 $_tile_overlayer_lowered  }
0xa1: {  	s23 =	simm.s32 $0x1BFF;
	s22 =	sshll.u32 s8, $0x1;
	s5 =	sadd.s32 s6, s20  }
0xa2: {  	s9 =	simm.s32 $0x0;
	s21 =	sshll.u32 s7, $0x1;
	s7 =	sadd.s32 s22, s5  }
0xa3: {  	[timem:s9], [sflag:s23] =	dma.local [hbm:s7], s21  }
0xa4: {  	_ =	swait.ge [sflag:s23], s21  }
0xa5: {  	s6 =	ssub.s32 $0x0, s21;
	[sflag:s23] =	ssyncset.done $0x0  }
0xa6: {  	[sflag:s23] =	ssyncadd.s32 s6;
	_ =	sdelay $0x1  }
0xa7: {  	s24 =	simm.s32 $0x1B8B  }
0xa8: {  	_ =	swait.ge [sflag:s24], $0x1  }
0xa9: {  	[sflag:s24] =	ssyncset.done $0x0  }
0xaa: {  	s25 =	simm.s32 $0x1B8E;
	[sflag:s24] =	ssyncadd.s32 $0xFFFFFFFF  }
0xab: {  	s26 =	simm.s32 $execute0_lowered;
	[smem:$0x3FD2] =	sst s25  }
0xac: {  	s6 =	sshll.u32 s26, $0x1;
	_ =	strace $0x80000046;
	[dreg:$0x1] =	wrdreg $0xFFFFFFFF  }
0xad: {  	s28 =	simm.s32 $_size_execute0_lowered;
	s5 =	sadd.s32 s5, s6;
	[dreg:$0x0] =	wrdreg $0x0  }
0xae: {  	s6 =	sshll.u32 s28, $0x1;
	[dreg:$0x2] =	wrdreg s5  }
0xaf: {  	[dreg:$0x3] =	wrdreg s6  }
0xb0: {  	[dreg:$0x4] =	wrdreg $0xC0  }
0xb1: {  	_ =	task [dreg:s9], $0x5FFFF  }
0xb2: {  	[dreg:$0x1] =	wrdreg $0xFFFFFFFF  }
0xb3: {  	[dreg:$0x0] =	wrdreg $0x60  }
0xb4: {  	[dreg:$0x2] =	wrdreg s16  }
0xb5: {  	[dreg:$0x3] =	wrdreg s18  }
0xb6: {  	[dreg:$0x4] =	wrdreg s17  }
0xb7: {  	[dreg:$0x5] =	wrdreg $0x9  }
0xb8: {  	_ =	task.clear_ibuf [dreg:s9], $0x6FFFF;
	_ =	strace $0x90000046  }
0xb9: {  	s29 =	simm.s32 $0x9;
	_ =	strace $0x80000048  }
0xba: {  	_ =	swait.ge [sflag:s29], $0x1  }
0xbb: {  	[sflag:s29] =	ssyncadd.s32 $0xFFFFFFFF  }
0xbc: {  	_ =	strace $0x90000048  }
0xbd: {  	_ =	sfence  }
0xbe: {  	s30 =	sld [smem:$0x0];
	_ =	sdelay $0x2  }
0xbf: {  	s31 =	sshll.u32 s1, $0xD;
	s1 =	sshrl.u32 s1, $0x2  }
0xc0: {  	s3 =	sand.u32 $0x4000, s31;
	s1 =	sadd.s32 s1, s30  }
0xc1: {  	s0 =	sor.u32 s3, s0;
	s1 =	sshll.u32 s1, $0x11  }
0xc2: {  	s0 =	sor.u32 s1, s0  }
0xc3: {  	s0 =	sadd.s32 $0x8F2B, s0  }
0xc4: {  	[sflag:s0] =	ssyncadd.remote.s32 $0x1  }
0xc5: {  	_ =	sfence.sel $0xFFFF  }
0xc6: {  	[dreg:$0x0] =	wrdreg $0xFFFFFFFF;
	(pc) =	sbr.abs _section_cstart, $3  }
0xc7: {  	[dreg:$0x1] =	wrdreg $0xFFFFFFFF  }
0xc8: {  	_ =	task.clear_ibuf [dreg:s9], $0x2FFFF;
	_ =	strace $0x9FFFFFFF  }
0xc9: {  	(tm) =	ssettm $0x7FFFFFFF  }
tec
execute0_lowered:
.L_overlay_start_1:
0x0: {  	(tag) =	ssettag $0x1  }
0x1: {  	s1 =	rddreg [dreg:$0x0]  }
0x2: {  	s0 =	srdreg.scid;
	s2 =	rddreg [dreg:$0x1]  }
0x3: {  	s3 =	stileid.u32;
	s4 =	rddreg [dreg:$0x2];
	s15 =	simm.s32 $0x2  }
0x4: {  	s17 =	simm.s32 $0x1200;
	s18 =	simm.s32 $0x1A00;
	s19 =	simm.s32 $0x2200  }
0x5: {  	s20 =	simm.s32 $0x2A00;
	s21 =	simm.s32 $0x3200;
	s22 =	simm.s32 $0x3A00  }
0x6: {  	s28 =	simm.s32 $0x5A00;
	s29 =	simm.s32 $0x6200;
	s30 =	simm.s32 $0x6A00  }
0x7: {  	s31 =	simm.s32 $0x7200;
	s8 =	simm.s32 $0x9200;
	s9 =	simm.s32 $0x9A00  }
0x8: {  	s10 =	simm.s32 $0xA200;
	s11 =	simm.s32 $0xAA00;
	s0 =	sand.u32 $0x1, s0  }
0x9: {  	s13 =	simm.s32 $0xBA00;
	s5 =	sshll.u32 s3, $0xA;
	s6 =	sshll.u32 s0, $0x9  }
0xa: {  	s14 =	simm.s32 $0x200;
	s3 =	simm.s32 $0x0;
	s5 =	sor.u32 s6, s5  }
0xb: {  	[smem:$0x7FF] =	sst s3;
	s0 =	ssub.s32 $0x2, s0;
	s6 =	sshrl.u32 s5, $0x3  }
0xc: {  	_ =	strace $0x80000047;
	s5 =	sshll.u32 s5, $0x5;
	s2 =	sadd.s32 s2, s6  }
0xd: {  	s25 =	sshrl.u32 s0, $0x1;
	s4 =	sadd.s32 s4, s5;
	[dreg:$0x4] =	wrdreg s2  }
0xe: {  	s0 =	ssub.s32 s0, s25;
	s23 =	sadd.s32 $0x1000, s4;
	[dreg:$0x8] =	wrdreg s4  }
0xf: {  	s25 =	simm.s32 $0x4A00;
	s24 =	sadd.s32 $0x2000, s4;
	[dreg:$0x5] =	wrdreg s23  }
0x10: {  	v2 =	vlaneseq.u32;
	s5 =	smax.u32 s0, $0x1;
	s26 =	sadd.s32 $0x3000, s4;
	[dreg:$0x6] =	wrdreg s24  }
0x11: {  	vm0 =	vmmov $0xffff;
	v1 =	vshrl.u32 v2, $0x3;
	s6 =	simm.s32 $0x3;
	s4 =	simm.s32 $0x1;
	[dreg:$0x7] =	wrdreg s26  }
0x12: {  	v0 =	vand.u32 $0x7, v2;
	v2 =	vor.u32 $0x8, v2;
	v1 =	vmul.u32 $0x8, v1;
	s24 =	simm.s32 $0x4200;
	s26 =	simm.s32 $0x5200;
	s23 =	simm.s32 $0x8A00  }
.LBB2_1:
0x13: {  	s16 =	rddreg [dreg:$0x4]  }
0x14: {  	[tilespmem:s3], [sflag:$0x3] =	stream.linear.gather [hbm4b:s16+s3], $0x200, $0x38;
	[tilespmem:$0x10200] =	vst v63  }
0x15: {  	_ =	swait.ge [sflag:s6], $0x200  }
0x16: {  	[sflag:s6] =	ssyncset.done $0x0  }
0x17: {  	[sflag:s6] =	ssyncadd.s32 $0xFFFFFE00  }
0x18: {  	v3 =	vld [tilespmem:$0x0];
	_ =	sdelay $0x4  }
0x19: {  	v4 =	vshll.u32 v3, $0x1  }
0x1a: {  	v3 =	vand.u32 $0x7, v3;
	v4 =	vand.u32 $0xFFFFFFF0, v4  }
0x1b: {  	v3 =	vor.u32 v3, v4  }
0x1c: {  	v4 =	vperm.xlane v3, v0;
	_ =	sdelay $0x1  }
0x1d: {  	v3 =	vperm.xlane v3, v2;
	v4 =	vadd.s32 v1, v4;
	_ =	sdelay $0x1  }
0x1e: {  	v3 =	vadd.s32 v1, v3;
	_ =	sdelay $0x1  }
0x1f: {  	s0 =	simm.s32 $0x200  }
0x20: {  	[tilespmem:s0], [sflag:$0x1] =	stream.indirect_vreg.gather [hbm4b:s1+s3], $0x80, v4, vm0, $0xb8;
	[tilespmem:$0x10200] =	vst v63  }
0x21: {  	s16 =	simm.s32 $0xA00  }
0x22: {  	[tilespmem:s16], [sflag:$0x1] =	stream.indirect_vreg.gather [hbm4b:s1+s3], $0x80, v3, vm0, $0xb8;
	[tilespmem:$0x10200] =	vst v63  }
0x23: {  	v3 =	vld [tilespmem:$0x10];
	_ =	sdelay $0x4  }
0x24: {  	v33 =	vshll.u32 v3, $0x1  }
0x25: {  	v3 =	vand.u32 $0x7, v3;
	v4 =	vand.u32 $0xFFFFFFF0, v33  }
0x26: {  	v3 =	vor.u32 v3, v4  }
0x27: {  	v4 =	vperm.xlane v3, v0;
	_ =	sdelay $0x1  }
0x28: {  	v3 =	vperm.xlane v3, v2;
	v4 =	vadd.s32 v1, v4;
	_ =	sdelay $0x1  }
0x29: {  	v3 =	vadd.s32 v1, v3;
	_ =	sdelay $0x2  }
0x2a: {  	[tilespmem:s17], [sflag:$0x1] =	stream.indirect_vreg.gather [hbm4b:s1+s3], $0x80, v4, vm0, $0xb8;
	[tilespmem:$0x10200] =	vst v63  }
0x2b: {  	_ = 	snop  }
0x2c: {  	[tilespmem:s18], [sflag:$0x1] =	stream.indirect_vreg.gather [hbm4b:s1+s3], $0x80, v3, vm0, $0xb8;
	[tilespmem:$0x10200] =	vst v63  }
0x2d: {  	v3 =	vld [tilespmem:$0x20];
	_ =	sdelay $0x4  }
0x2e: {  	v34 =	vshll.u32 v3, $0x1  }
0x2f: {  	v3 =	vand.u32 $0x7, v3;
	v4 =	vand.u32 $0xFFFFFFF0, v34  }
0x30: {  	v3 =	vor.u32 v3, v4  }
0x31: {  	v4 =	vperm.xlane v3, v0;
	_ =	sdelay $0x1  }
0x32: {  	v3 =	vperm.xlane v3, v2;
	v4 =	vadd.s32 v1, v4;
	_ =	sdelay $0x1  }
0x33: {  	v3 =	vadd.s32 v1, v3;
	_ =	sdelay $0x2  }
0x34: {  	[tilespmem:s19], [sflag:$0x1] =	stream.indirect_vreg.gather [hbm4b:s1+s3], $0x80, v4, vm0, $0xb8;
	[tilespmem:$0x10200] =	vst v63  }
0x35: {  	_ = 	snop  }
0x36: {  	[tilespmem:s20], [sflag:$0x1] =	stream.indirect_vreg.gather [hbm4b:s1+s3], $0x80, v3, vm0, $0xb8;
	[tilespmem:$0x10200] =	vst v63  }
0x37: {  	v3 =	vld [tilespmem:$0x30];
	_ =	sdelay $0x4  }
0x38: {  	v35 =	vshll.u32 v3, $0x1  }
0x39: {  	v3 =	vand.u32 $0x7, v3;
	v4 =	vand.u32 $0xFFFFFFF0, v35  }
0x3a: {  	v3 =	vor.u32 v3, v4  }
0x3b: {  	v4 =	vperm.xlane v3, v0;
	_ =	sdelay $0x1  }
0x3c: {  	v3 =	vperm.xlane v3, v2;
	v4 =	vadd.s32 v1, v4;
	_ =	sdelay $0x1  }
0x3d: {  	v3 =	vadd.s32 v1, v3;
	_ =	sdelay $0x2  }
0x3e: {  	[tilespmem:s21], [sflag:$0x1] =	stream.indirect_vreg.gather [hbm4b:s1+s3], $0x80, v4, vm0, $0xb8;
	[tilespmem:$0x10200] =	vst v63  }
0x3f: {  	_ = 	snop  }
0x40: {  	[tilespmem:s22], [sflag:$0x1] =	stream.indirect_vreg.gather [hbm4b:s1+s3], $0x80, v3, vm0, $0xb8;
	[tilespmem:$0x10200] =	vst v63  }
0x41: {  	v3 =	vld [tilespmem:$0x40];
	_ =	sdelay $0x4  }
0x42: {  	v36 =	vshll.u32 v3, $0x1  }
0x43: {  	v3 =	vand.u32 $0x7, v3;
	v4 =	vand.u32 $0xFFFFFFF0, v36  }
0x44: {  	v3 =	vor.u32 v3, v4  }
0x45: {  	v4 =	vperm.xlane v3, v0;
	_ =	sdelay $0x1  }
0x46: {  	v3 =	vperm.xlane v3, v2;
	v4 =	vadd.s32 v1, v4;
	_ =	sdelay $0x1  }
0x47: {  	v3 =	vadd.s32 v1, v3;
	_ =	sdelay $0x2  }
0x48: {  	[tilespmem:s24], [sflag:$0x1] =	stream.indirect_vreg.gather [hbm4b:s1+s3], $0x80, v4, vm0, $0xb8;
	[tilespmem:$0x10200] =	vst v63  }
0x49: {  	_ = 	snop  }
0x4a: {  	[tilespmem:s25], [sflag:$0x1] =	stream.indirect_vreg.gather [hbm4b:s1+s3], $0x80, v3, vm0, $0xb8;
	[tilespmem:$0x10200] =	vst v63  }
0x4b: {  	v3 =	vld [tilespmem:$0x50];
	_ =	sdelay $0x4  }
0x4c: {  	v37 =	vshll.u32 v3, $0x1  }
0x4d: {  	v3 =	vand.u32 $0x7, v3;
	v4 =	vand.u32 $0xFFFFFFF0, v37  }
0x4e: {  	v3 =	vor.u32 v3, v4  }
0x4f: {  	v4 =	vperm.xlane v3, v0;
	_ =	sdelay $0x1  }
0x50: {  	v3 =	vperm.xlane v3, v2;
	v4 =	vadd.s32 v1, v4;
	_ =	sdelay $0x1  }
0x51: {  	v3 =	vadd.s32 v1, v3;
	_ =	sdelay $0x2  }
0x52: {  	[tilespmem:s26], [sflag:$0x1] =	stream.indirect_vreg.gather [hbm4b:s1+s3], $0x80, v4, vm0, $0xb8;
	[tilespmem:$0x10200] =	vst v63  }
0x53: {  	_ = 	snop  }
0x54: {  	[tilespmem:s28], [sflag:$0x1] =	stream.indirect_vreg.gather [hbm4b:s1+s3], $0x80, v3, vm0, $0xb8;
	[tilespmem:$0x10200] =	vst v63  }
0x55: {  	v3 =	vld [tilespmem:$0x60];
	_ =	sdelay $0x4  }
0x56: {  	v38 =	vshll.u32 v3, $0x1  }
0x57: {  	v3 =	vand.u32 $0x7, v3;
	v4 =	vand.u32 $0xFFFFFFF0, v38  }
0x58: {  	v3 =	vor.u32 v3, v4  }
0x59: {  	v4 =	vperm.xlane v3, v0;
	_ =	sdelay $0x1  }
0x5a: {  	v3 =	vperm.xlane v3, v2;
	v4 =	vadd.s32 v1, v4;
	_ =	sdelay $0x1  }
0x5b: {  	v3 =	vadd.s32 v1, v3;
	_ =	sdelay $0x2  }
0x5c: {  	[tilespmem:s29], [sflag:$0x1] =	stream.indirect_vreg.gather [hbm4b:s1+s3], $0x80, v4, vm0, $0xb8;
	[tilespmem:$0x10200] =	vst v63  }
0x5d: {  	_ = 	snop  }
0x5e: {  	[tilespmem:s30], [sflag:$0x1] =	stream.indirect_vreg.gather [hbm4b:s1+s3], $0x80, v3, vm0, $0xb8;
	[tilespmem:$0x10200] =	vst v63  }
0x5f: {  	v3 =	vld [tilespmem:$0x70];
	_ =	sdelay $0x4  }
0x60: {  	v39 =	vshll.u32 v3, $0x1  }
0x61: {  	v3 =	vand.u32 $0x7, v3;
	v4 =	vand.u32 $0xFFFFFFF0, v39  }
0x62: {  	v3 =	vor.u32 v3, v4  }
0x63: {  	v4 =	vperm.xlane v3, v0;
	_ =	sdelay $0x1  }
0x64: {  	v3 =	vperm.xlane v3, v2;
	v4 =	vadd.s32 v1, v4;
	_ =	sdelay $0x1  }
0x65: {  	v3 =	vadd.s32 v1, v3;
	_ =	sdelay $0x2  }
0x66: {  	[tilespmem:s31], [sflag:$0x1] =	stream.indirect_vreg.gather [hbm4b:s1+s3], $0x80, v4, vm0, $0xb8;
	[tilespmem:$0x10200] =	vst v63  }
0x67: {  	s2 =	simm.s32 $0x7A00  }
0x68: {  	[tilespmem:s2], [sflag:$0x1] =	stream.indirect_vreg.gather [hbm4b:s1+s3], $0x80, v3, vm0, $0xb8;
	[tilespmem:$0x10200] =	vst v63  }
0x69: {  	v3 =	vld [tilespmem:$0x80];
	_ =	sdelay $0x4  }
0x6a: {  	v40 =	vshll.u32 v3, $0x1  }
0x6b: {  	v3 =	vand.u32 $0x7, v3;
	v4 =	vand.u32 $0xFFFFFFF0, v40  }
0x6c: {  	v3 =	vor.u32 v3, v4  }
0x6d: {  	v4 =	vperm.xlane v3, v0;
	_ =	sdelay $0x1  }
0x6e: {  	v3 =	vperm.xlane v3, v2;
	v4 =	vadd.s32 v1, v4;
	_ =	sdelay $0x1  }
0x6f: {  	v3 =	vadd.s32 v1, v3;
	_ =	sdelay $0x1  }
0x70: {  	s0 =	simm.s32 $0x8200  }
0x71: {  	[tilespmem:s0], [sflag:$0x2] =	stream.indirect_vreg.gather [hbm4b:s1+s3], $0x80, v4, vm0, $0xb8;
	[tilespmem:$0x10200] =	vst v63  }
0x72: {  	_ = 	snop  }
0x73: {  	[tilespmem:s23], [sflag:$0x2] =	stream.indirect_vreg.gather [hbm4b:s1+s3], $0x80, v3, vm0, $0xb8;
	[tilespmem:$0x10200] =	vst v63  }
0x74: {  	v3 =	vld [tilespmem:$0x90];
	_ =	sdelay $0x4  }
0x75: {  	v41 =	vshll.u32 v3, $0x1  }
0x76: {  	v3 =	vand.u32 $0x7, v3;
	v4 =	vand.u32 $0xFFFFFFF0, v41  }
0x77: {  	v3 =	vor.u32 v3, v4  }
0x78: {  	v4 =	vperm.xlane v3, v0;
	_ =	sdelay $0x1  }
0x79: {  	v3 =	vperm.xlane v3, v2;
	v4 =	vadd.s32 v1, v4;
	_ =	sdelay $0x1  }
0x7a: {  	v3 =	vadd.s32 v1, v3;
	_ =	sdelay $0x2  }
0x7b: {  	[tilespmem:s8], [sflag:$0x2] =	stream.indirect_vreg.gather [hbm4b:s1+s3], $0x80, v4, vm0, $0xb8;
	[tilespmem:$0x10200] =	vst v63  }
0x7c: {  	_ = 	snop  }
0x7d: {  	[tilespmem:s9], [sflag:$0x2] =	stream.indirect_vreg.gather [hbm4b:s1+s3], $0x80, v3, vm0, $0xb8;
	[tilespmem:$0x10200] =	vst v63  }
0x7e: {  	v3 =	vld [tilespmem:$0xA0];
	_ =	sdelay $0x4  }
0x7f: {  	v42 =	vshll.u32 v3, $0x1  }
0x80: {  	v3 =	vand.u32 $0x7, v3;
	v4 =	vand.u32 $0xFFFFFFF0, v42  }
0x81: {  	v3 =	vor.u32 v3, v4  }
0x82: {  	v4 =	vperm.xlane v3, v0;
	_ =	sdelay $0x1  }
0x83: {  	v3 =	vperm.xlane v3, v2;
	v4 =	vadd.s32 v1, v4;
	_ =	sdelay $0x1  }
0x84: {  	v3 =	vadd.s32 v1, v3;
	_ =	sdelay $0x2  }
0x85: {  	[tilespmem:s10], [sflag:$0x2] =	stream.indirect_vreg.gather [hbm4b:s1+s3], $0x80, v4, vm0, $0xb8;
	[tilespmem:$0x10200] =	vst v63  }
0x86: {  	_ = 	snop  }
0x87: {  	[tilespmem:s11], [sflag:$0x2] =	stream.indirect_vreg.gather [hbm4b:s1+s3], $0x80, v3, vm0, $0xb8;
	[tilespmem:$0x10200] =	vst v63  }
0x88: {  	v3 =	vld [tilespmem:$0xB0];
	_ =	sdelay $0x4  }
0x89: {  	v43 =	vshll.u32 v3, $0x1  }
0x8a: {  	v3 =	vand.u32 $0x7, v3;
	v4 =	vand.u32 $0xFFFFFFF0, v43  }
0x8b: {  	v3 =	vor.u32 v3, v4  }
0x8c: {  	v4 =	vperm.xlane v3, v0;
	_ =	sdelay $0x1  }
0x8d: {  	v3 =	vperm.xlane v3, v2;
	v4 =	vadd.s32 v1, v4;
	_ =	sdelay $0x1  }
0x8e: {  	v3 =	vadd.s32 v1, v3;
	_ =	sdelay $0x1  }
0x8f: {  	s7 =	simm.s32 $0xB200  }
0x90: {  	[tilespmem:s7], [sflag:$0x2] =	stream.indirect_vreg.gather [hbm4b:s1+s3], $0x80, v4, vm0, $0xb8;
	[tilespmem:$0x10200] =	vst v63  }
0x91: {  	_ = 	snop  }
0x92: {  	[tilespmem:s13], [sflag:$0x2] =	stream.indirect_vreg.gather [hbm4b:s1+s3], $0x80, v3, vm0, $0xb8;
	[tilespmem:$0x10200] =	vst v63  }
0x93: {  	v3 =	vld [tilespmem:$0xC0];
	_ =	sdelay $0x4  }
0x94: {  	v44 =	vshll.u32 v3, $0x1  }
0x95: {  	v3 =	vand.u32 $0x7, v3;
	v4 =	vand.u32 $0xFFFFFFF0, v44  }
0x96: {  	v3 =	vor.u32 v3, v4  }
0x97: {  	v4 =	vperm.xlane v3, v0;
	_ =	sdelay $0x1  }
0x98: {  	v3 =	vperm.xlane v3, v2;
	v4 =	vadd.s32 v1, v4;
	_ =	sdelay $0x1  }
0x99: {  	v3 =	vadd.s32 v1, v3;
	_ =	sdelay $0x1  }
0x9a: {  	s7 =	simm.s32 $0xC200  }
0x9b: {  	[tilespmem:s7], [sflag:$0x2] =	stream.indirect_vreg.gather [hbm4b:s1+s3], $0x80, v4, vm0, $0xb8;
	[tilespmem:$0x10200] =	vst v63  }
0x9c: {  	s12 =	simm.s32 $0xCA00  }
0x9d: {  	[tilespmem:s12], [sflag:$0x2] =	stream.indirect_vreg.gather [hbm4b:s1+s3], $0x80, v3, vm0, $0xb8;
	[tilespmem:$0x10200] =	vst v63  }
0x9e: {  	v3 =	vld [tilespmem:$0xD0];
	_ =	sdelay $0x4  }
0x9f: {  	v45 =	vshll.u32 v3, $0x1  }
0xa0: {  	v3 =	vand.u32 $0x7, v3;
	v4 =	vand.u32 $0xFFFFFFF0, v45  }
0xa1: {  	v3 =	vor.u32 v3, v4  }
0xa2: {  	v4 =	vperm.xlane v3, v0;
	_ =	sdelay $0x1  }
0xa3: {  	v3 =	vperm.xlane v3, v2;
	v4 =	vadd.s32 v1, v4;
	_ =	sdelay $0x1  }
0xa4: {  	v3 =	vadd.s32 v1, v3;
	_ =	sdelay $0x1  }
0xa5: {  	s12 =	simm.s32 $0xD200  }
0xa6: {  	[tilespmem:s12], [sflag:$0x2] =	stream.indirect_vreg.gather [hbm4b:s1+s3], $0x80, v4, vm0, $0xb8;
	[tilespmem:$0x10200] =	vst v63  }
0xa7: {  	s12 =	simm.s32 $0xDA00  }
0xa8: {  	[tilespmem:s12], [sflag:$0x2] =	stream.indirect_vreg.gather [hbm4b:s1+s3], $0x80, v3, vm0, $0xb8;
	[tilespmem:$0x10200] =	vst v63  }
0xa9: {  	v3 =	vld [tilespmem:$0xE0];
	_ =	sdelay $0x4  }
0xaa: {  	v46 =	vshll.u32 v3, $0x1  }
0xab: {  	v3 =	vand.u32 $0x7, v3;
	v4 =	vand.u32 $0xFFFFFFF0, v46  }
0xac: {  	v3 =	vor.u32 v3, v4  }
0xad: {  	v4 =	vperm.xlane v3, v0;
	_ =	sdelay $0x1  }
0xae: {  	v3 =	vperm.xlane v3, v2;
	v4 =	vadd.s32 v1, v4;
	_ =	sdelay $0x1  }
0xaf: {  	v3 =	vadd.s32 v1, v3;
	_ =	sdelay $0x1  }
0xb0: {  	s12 =	simm.s32 $0xE200  }
0xb1: {  	[tilespmem:s12], [sflag:$0x2] =	stream.indirect_vreg.gather [hbm4b:s1+s3], $0x80, v4, vm0, $0xb8;
	[tilespmem:$0x10200] =	vst v63  }
0xb2: {  	s12 =	simm.s32 $0xEA00  }
0xb3: {  	[tilespmem:s12], [sflag:$0x2] =	stream.indirect_vreg.gather [hbm4b:s1+s3], $0x80, v3, vm0, $0xb8;
	[tilespmem:$0x10200] =	vst v63  }
0xb4: {  	v3 =	vld [tilespmem:$0xF0];
	_ =	sdelay $0x4  }
0xb5: {  	v47 =	vshll.u32 v3, $0x1  }
0xb6: {  	v3 =	vand.u32 $0x7, v3;
	v4 =	vand.u32 $0xFFFFFFF0, v47  }
0xb7: {  	v3 =	vor.u32 v3, v4  }
0xb8: {  	v4 =	vperm.xlane v3, v0;
	_ =	sdelay $0x1  }
0xb9: {  	v3 =	vperm.xlane v3, v2;
	v4 =	vadd.s32 v1, v4;
	_ =	sdelay $0x1  }
0xba: {  	v3 =	vadd.s32 v1, v3;
	_ =	sdelay $0x1  }
0xbb: {  	s12 =	simm.s32 $0xF200  }
0xbc: {  	[tilespmem:s12], [sflag:$0x2] =	stream.indirect_vreg.gather [hbm4b:s1+s3], $0x80, v4, vm0, $0xb8;
	[tilespmem:$0x10200] =	vst v63  }
0xbd: {  	s12 =	simm.s32 $0xFA00  }
0xbe: {  	[tilespmem:s12], [sflag:$0x2] =	stream.indirect_vreg.gather [hbm4b:s1+s3], $0x80, v3, vm0, $0xb8;
	[tilespmem:$0x10200] =	vst v63  }
0xbf: {  	_ =	swait.ge [sflag:s4], $0x8000  }
0xc0: {  	[sflag:s4] =	ssyncset.done $0x0  }
0xc1: {  	s12 =	rddreg [dreg:$0x8];
	[sflag:s4] =	ssyncadd.s32 $0xFFFF8000  }
0xc2: {  	[hbm4b:s12+s3] =	stream.linear.scatter [tilespmem:s14], [sflag:$0x3], $0x8000, $0x38;
	[tilespmem:$0x10200] =	vst v63  }
0xc3: {  	_ =	swait.ge [sflag:s6], $0x8000  }
0xc4: {  	[sflag:s6] =	ssyncset.done $0x0  }
0xc5: {  	[sflag:s6] =	ssyncadd.s32 $0xFFFF8000  }
0xc6: {  	v3 =	vld [tilespmem:$0x100];
	_ =	sdelay $0x4  }
0xc7: {  	v48 =	vshll.u32 v3, $0x1  }
0xc8: {  	v3 =	vand.u32 $0x7, v3;
	v4 =	vand.u32 $0xFFFFFFF0, v48  }
0xc9: {  	v3 =	vor.u32 v3, v4  }
0xca: {  	v4 =	vperm.xlane v3, v0;
	_ =	sdelay $0x1  }
0xcb: {  	v3 =	vperm.xlane v3, v2;
	v4 =	vadd.s32 v1, v4;
	_ =	sdelay $0x1  }
0xcc: {  	v3 =	vadd.s32 v1, v3;
	_ =	sdelay $0x2  }
0xcd: {  	[tilespmem:s14], [sflag:$0x1] =	stream.indirect_vreg.gather [hbm4b:s1+s3], $0x80, v4, vm0, $0xb8;
	[tilespmem:$0x10200] =	vst v63  }
0xce: {  	_ = 	snop  }
0xcf: {  	[tilespmem:s16], [sflag:$0x1] =	stream.indirect_vreg.gather [hbm4b:s1+s3], $0x80, v3, vm0, $0xb8;
	[tilespmem:$0x10200] =	vst v63  }
0xd0: {  	v3 =	vld [tilespmem:$0x110];
	_ =	sdelay $0x4  }
0xd1: {  	v49 =	vshll.u32 v3, $0x1  }
0xd2: {  	v3 =	vand.u32 $0x7, v3;
	v4 =	vand.u32 $0xFFFFFFF0, v49  }
0xd3: {  	v3 =	vor.u32 v3, v4  }
0xd4: {  	v4 =	vperm.xlane v3, v0;
	_ =	sdelay $0x1  }
0xd5: {  	v3 =	vperm.xlane v3, v2;
	v4 =	vadd.s32 v1, v4;
	_ =	sdelay $0x1  }
0xd6: {  	v3 =	vadd.s32 v1, v3;
	_ =	sdelay $0x2  }
0xd7: {  	[tilespmem:s17], [sflag:$0x1] =	stream.indirect_vreg.gather [hbm4b:s1+s3], $0x80, v4, vm0, $0xb8;
	[tilespmem:$0x10200] =	vst v63  }
0xd8: {  	_ = 	snop  }
0xd9: {  	[tilespmem:s18], [sflag:$0x1] =	stream.indirect_vreg.gather [hbm4b:s1+s3], $0x80, v3, vm0, $0xb8;
	[tilespmem:$0x10200] =	vst v63  }
0xda: {  	v3 =	vld [tilespmem:$0x120];
	_ =	sdelay $0x4  }
0xdb: {  	v50 =	vshll.u32 v3, $0x1  }
0xdc: {  	v3 =	vand.u32 $0x7, v3;
	v4 =	vand.u32 $0xFFFFFFF0, v50  }
0xdd: {  	v3 =	vor.u32 v3, v4  }
0xde: {  	v4 =	vperm.xlane v3, v0;
	_ =	sdelay $0x1  }
0xdf: {  	v3 =	vperm.xlane v3, v2;
	v4 =	vadd.s32 v1, v4;
	_ =	sdelay $0x1  }
0xe0: {  	v3 =	vadd.s32 v1, v3;
	_ =	sdelay $0x2  }
0xe1: {  	[tilespmem:s19], [sflag:$0x1] =	stream.indirect_vreg.gather [hbm4b:s1+s3], $0x80, v4, vm0, $0xb8;
	[tilespmem:$0x10200] =	vst v63  }
0xe2: {  	_ = 	snop  }
0xe3: {  	[tilespmem:s20], [sflag:$0x1] =	stream.indirect_vreg.gather [hbm4b:s1+s3], $0x80, v3, vm0, $0xb8;
	[tilespmem:$0x10200] =	vst v63  }
0xe4: {  	v3 =	vld [tilespmem:$0x130];
	_ =	sdelay $0x4  }
0xe5: {  	v51 =	vshll.u32 v3, $0x1  }
0xe6: {  	v3 =	vand.u32 $0x7, v3;
	v4 =	vand.u32 $0xFFFFFFF0, v51  }
0xe7: {  	v3 =	vor.u32 v3, v4  }
0xe8: {  	v4 =	vperm.xlane v3, v0;
	_ =	sdelay $0x1  }
0xe9: {  	v3 =	vperm.xlane v3, v2;
	v4 =	vadd.s32 v1, v4;
	_ =	sdelay $0x1  }
0xea: {  	v3 =	vadd.s32 v1, v3;
	_ =	sdelay $0x2  }
0xeb: {  	[tilespmem:s21], [sflag:$0x1] =	stream.indirect_vreg.gather [hbm4b:s1+s3], $0x80, v4, vm0, $0xb8;
	[tilespmem:$0x10200] =	vst v63  }
0xec: {  	_ = 	snop  }
0xed: {  	[tilespmem:s22], [sflag:$0x1] =	stream.indirect_vreg.gather [hbm4b:s1+s3], $0x80, v3, vm0, $0xb8;
	[tilespmem:$0x10200] =	vst v63  }
0xee: {  	v3 =	vld [tilespmem:$0x140];
	_ =	sdelay $0x4  }
0xef: {  	v52 =	vshll.u32 v3, $0x1  }
0xf0: {  	v3 =	vand.u32 $0x7, v3;
	v4 =	vand.u32 $0xFFFFFFF0, v52  }
0xf1: {  	v3 =	vor.u32 v3, v4  }
0xf2: {  	v4 =	vperm.xlane v3, v0;
	_ =	sdelay $0x1  }
0xf3: {  	v3 =	vperm.xlane v3, v2;
	v4 =	vadd.s32 v1, v4;
	_ =	sdelay $0x1  }
0xf4: {  	v3 =	vadd.s32 v1, v3;
	_ =	sdelay $0x2  }
0xf5: {  	[tilespmem:s24], [sflag:$0x1] =	stream.indirect_vreg.gather [hbm4b:s1+s3], $0x80, v4, vm0, $0xb8;
	[tilespmem:$0x10200] =	vst v63  }
0xf6: {  	_ = 	snop  }
0xf7: {  	[tilespmem:s25], [sflag:$0x1] =	stream.indirect_vreg.gather [hbm4b:s1+s3], $0x80, v3, vm0, $0xb8;
	[tilespmem:$0x10200] =	vst v63  }
0xf8: {  	v3 =	vld [tilespmem:$0x150];
	_ =	sdelay $0x4  }
0xf9: {  	v53 =	vshll.u32 v3, $0x1  }
0xfa: {  	v3 =	vand.u32 $0x7, v3;
	v4 =	vand.u32 $0xFFFFFFF0, v53  }
0xfb: {  	v3 =	vor.u32 v3, v4  }
0xfc: {  	v4 =	vperm.xlane v3, v0;
	_ =	sdelay $0x1  }
0xfd: {  	v3 =	vperm.xlane v3, v2;
	v4 =	vadd.s32 v1, v4;
	_ =	sdelay $0x1  }
0xfe: {  	v3 =	vadd.s32 v1, v3;
	_ =	sdelay $0x2  }
0xff: {  	[tilespmem:s26], [sflag:$0x1] =	stream.indirect_vreg.gather [hbm4b:s1+s3], $0x80, v4, vm0, $0xb8;
	[tilespmem:$0x10200] =	vst v63  }
0x100: {  	_ = 	snop  }
0x101: {  	[tilespmem:s28], [sflag:$0x1] =	stream.indirect_vreg.gather [hbm4b:s1+s3], $0x80, v3, vm0, $0xb8;
	[tilespmem:$0x10200] =	vst v63  }
0x102: {  	v3 =	vld [tilespmem:$0x160];
	_ =	sdelay $0x4  }
0x103: {  	v54 =	vshll.u32 v3, $0x1  }
0x104: {  	v3 =	vand.u32 $0x7, v3;
	v4 =	vand.u32 $0xFFFFFFF0, v54  }
0x105: {  	v3 =	vor.u32 v3, v4  }
0x106: {  	v4 =	vperm.xlane v3, v0;
	_ =	sdelay $0x1  }
0x107: {  	v3 =	vperm.xlane v3, v2;
	v4 =	vadd.s32 v1, v4;
	_ =	sdelay $0x1  }
0x108: {  	v3 =	vadd.s32 v1, v3;
	_ =	sdelay $0x2  }
0x109: {  	[tilespmem:s29], [sflag:$0x1] =	stream.indirect_vreg.gather [hbm4b:s1+s3], $0x80, v4, vm0, $0xb8;
	[tilespmem:$0x10200] =	vst v63  }
0x10a: {  	_ = 	snop  }
0x10b: {  	[tilespmem:s30], [sflag:$0x1] =	stream.indirect_vreg.gather [hbm4b:s1+s3], $0x80, v3, vm0, $0xb8;
	[tilespmem:$0x10200] =	vst v63  }
0x10c: {  	v3 =	vld [tilespmem:$0x170];
	_ =	sdelay $0x4  }
0x10d: {  	v55 =	vshll.u32 v3, $0x1  }
0x10e: {  	v3 =	vand.u32 $0x7, v3;
	v4 =	vand.u32 $0xFFFFFFF0, v55  }
0x10f: {  	v3 =	vor.u32 v3, v4  }
0x110: {  	v4 =	vperm.xlane v3, v0;
	_ =	sdelay $0x1  }
0x111: {  	v3 =	vperm.xlane v3, v2;
	v4 =	vadd.s32 v1, v4;
	_ =	sdelay $0x1  }
0x112: {  	v3 =	vadd.s32 v1, v3;
	_ =	sdelay $0x2  }
0x113: {  	[tilespmem:s31], [sflag:$0x1] =	stream.indirect_vreg.gather [hbm4b:s1+s3], $0x80, v4, vm0, $0xb8;
	[tilespmem:$0x10200] =	vst v63  }
0x114: {  	_ = 	snop  }
0x115: {  	[tilespmem:s2], [sflag:$0x1] =	stream.indirect_vreg.gather [hbm4b:s1+s3], $0x80, v3, vm0, $0xb8;
	[tilespmem:$0x10200] =	vst v63  }
0x116: {  	_ =	swait.ge [sflag:s15], $0x8000  }
0x117: {  	[sflag:s15] =	ssyncset.done $0x0  }
0x118: {  	s2 =	rddreg [dreg:$0x5];
	[sflag:s15] =	ssyncadd.s32 $0xFFFF8000  }
0x119: {  	[hbm4b:s2+s3] =	stream.linear.scatter [tilespmem:s0], [sflag:$0x3], $0x8000, $0x38;
	[tilespmem:$0x10200] =	vst v63  }
0x11a: {  	_ =	swait.ge [sflag:s6], $0x8000  }
0x11b: {  	[sflag:s6] =	ssyncset.done $0x0  }
0x11c: {  	[sflag:s6] =	ssyncadd.s32 $0xFFFF8000  }
0x11d: {  	v3 =	vld [tilespmem:$0x180];
	_ =	sdelay $0x4  }
0x11e: {  	v56 =	vshll.u32 v3, $0x1  }
0x11f: {  	v3 =	vand.u32 $0x7, v3;
	v4 =	vand.u32 $0xFFFFFFF0, v56  }
0x120: {  	v3 =	vor.u32 v3, v4  }
0x121: {  	v4 =	vperm.xlane v3, v0;
	_ =	sdelay $0x1  }
0x122: {  	v3 =	vperm.xlane v3, v2;
	v4 =	vadd.s32 v1, v4;
	_ =	sdelay $0x1  }
0x123: {  	v3 =	vadd.s32 v1, v3;
	_ =	sdelay $0x2  }
0x124: {  	[tilespmem:s0], [sflag:$0x2] =	stream.indirect_vreg.gather [hbm4b:s1+s3], $0x80, v4, vm0, $0xb8;
	[tilespmem:$0x10200] =	vst v63  }
0x125: {  	_ = 	snop  }
0x126: {  	[tilespmem:s23], [sflag:$0x2] =	stream.indirect_vreg.gather [hbm4b:s1+s3], $0x80, v3, vm0, $0xb8;
	[tilespmem:$0x10200] =	vst v63  }
0x127: {  	v3 =	vld [tilespmem:$0x190];
	_ =	sdelay $0x4  }
0x128: {  	v57 =	vshll.u32 v3, $0x1  }
0x129: {  	v3 =	vand.u32 $0x7, v3;
	v4 =	vand.u32 $0xFFFFFFF0, v57  }
0x12a: {  	v3 =	vor.u32 v3, v4  }
0x12b: {  	v4 =	vperm.xlane v3, v0;
	_ =	sdelay $0x1  }
0x12c: {  	v3 =	vperm.xlane v3, v2;
	v4 =	vadd.s32 v1, v4;
	_ =	sdelay $0x1  }
0x12d: {  	v3 =	vadd.s32 v1, v3;
	_ =	sdelay $0x2  }
0x12e: {  	[tilespmem:s8], [sflag:$0x2] =	stream.indirect_vreg.gather [hbm4b:s1+s3], $0x80, v4, vm0, $0xb8;
	[tilespmem:$0x10200] =	vst v63  }
0x12f: {  	_ = 	snop  }
0x130: {  	[tilespmem:s9], [sflag:$0x2] =	stream.indirect_vreg.gather [hbm4b:s1+s3], $0x80, v3, vm0, $0xb8;
	[tilespmem:$0x10200] =	vst v63  }
0x131: {  	v3 =	vld [tilespmem:$0x1A0];
	_ =	sdelay $0x4  }
0x132: {  	v58 =	vshll.u32 v3, $0x1  }
0x133: {  	v3 =	vand.u32 $0x7, v3;
	v4 =	vand.u32 $0xFFFFFFF0, v58  }
0x134: {  	v3 =	vor.u32 v3, v4  }
0x135: {  	v4 =	vperm.xlane v3, v0;
	_ =	sdelay $0x1  }
0x136: {  	v3 =	vperm.xlane v3, v2;
	v4 =	vadd.s32 v1, v4;
	_ =	sdelay $0x1  }
0x137: {  	v3 =	vadd.s32 v1, v3;
	_ =	sdelay $0x2  }
0x138: {  	[tilespmem:s10], [sflag:$0x2] =	stream.indirect_vreg.gather [hbm4b:s1+s3], $0x80, v4, vm0, $0xb8;
	[tilespmem:$0x10200] =	vst v63  }
0x139: {  	_ = 	snop  }
0x13a: {  	[tilespmem:s11], [sflag:$0x2] =	stream.indirect_vreg.gather [hbm4b:s1+s3], $0x80, v3, vm0, $0xb8;
	[tilespmem:$0x10200] =	vst v63  }
0x13b: {  	v3 =	vld [tilespmem:$0x1B0];
	_ =	sdelay $0x4  }
0x13c: {  	v59 =	vshll.u32 v3, $0x1  }
0x13d: {  	v3 =	vand.u32 $0x7, v3;
	v4 =	vand.u32 $0xFFFFFFF0, v59  }
0x13e: {  	v3 =	vor.u32 v3, v4  }
0x13f: {  	v4 =	vperm.xlane v3, v0;
	_ =	sdelay $0x1  }
0x140: {  	v3 =	vperm.xlane v3, v2;
	v4 =	vadd.s32 v1, v4;
	_ =	sdelay $0x1  }
0x141: {  	v3 =	vadd.s32 v1, v3;
	_ =	sdelay $0x1  }
0x142: {  	s16 =	simm.s32 $0xB200  }
0x143: {  	[tilespmem:s16], [sflag:$0x2] =	stream.indirect_vreg.gather [hbm4b:s1+s3], $0x80, v4, vm0, $0xb8;
	[tilespmem:$0x10200] =	vst v63  }
0x144: {  	_ = 	snop  }
0x145: {  	[tilespmem:s13], [sflag:$0x2] =	stream.indirect_vreg.gather [hbm4b:s1+s3], $0x80, v3, vm0, $0xb8;
	[tilespmem:$0x10200] =	vst v63  }
0x146: {  	v3 =	vld [tilespmem:$0x1C0];
	_ =	sdelay $0x4  }
0x147: {  	v60 =	vshll.u32 v3, $0x1  }
0x148: {  	v3 =	vand.u32 $0x7, v3;
	v4 =	vand.u32 $0xFFFFFFF0, v60  }
0x149: {  	v3 =	vor.u32 v3, v4  }
0x14a: {  	v4 =	vperm.xlane v3, v0;
	_ =	sdelay $0x1  }
0x14b: {  	v3 =	vperm.xlane v3, v2;
	v4 =	vadd.s32 v1, v4;
	_ =	sdelay $0x1  }
0x14c: {  	v3 =	vadd.s32 v1, v3;
	_ =	sdelay $0x2  }
0x14d: {  	[tilespmem:s7], [sflag:$0x2] =	stream.indirect_vreg.gather [hbm4b:s1+s3], $0x80, v4, vm0, $0xb8;
	[tilespmem:$0x10200] =	vst v63  }
0x14e: {  	s16 =	simm.s32 $0xCA00  }
0x14f: {  	[tilespmem:s16], [sflag:$0x2] =	stream.indirect_vreg.gather [hbm4b:s1+s3], $0x80, v3, vm0, $0xb8;
	[tilespmem:$0x10200] =	vst v63  }
0x150: {  	v3 =	vld [tilespmem:$0x1D0];
	_ =	sdelay $0x4  }
0x151: {  	v61 =	vshll.u32 v3, $0x1  }
0x152: {  	v3 =	vand.u32 $0x7, v3;
	v4 =	vand.u32 $0xFFFFFFF0, v61  }
0x153: {  	v3 =	vor.u32 v3, v4  }
0x154: {  	v4 =	vperm.xlane v3, v0;
	_ =	sdelay $0x1  }
0x155: {  	v3 =	vperm.xlane v3, v2;
	v4 =	vadd.s32 v1, v4;
	_ =	sdelay $0x1  }
0x156: {  	v3 =	vadd.s32 v1, v3;
	_ =	sdelay $0x1  }
0x157: {  	s7 =	simm.s32 $0xD200  }
0x158: {  	[tilespmem:s7], [sflag:$0x2] =	stream.indirect_vreg.gather [hbm4b:s1+s3], $0x80, v4, vm0, $0xb8;
	[tilespmem:$0x10200] =	vst v63  }
0x159: {  	s16 =	simm.s32 $0xDA00  }
0x15a: {  	[tilespmem:s16], [sflag:$0x2] =	stream.indirect_vreg.gather [hbm4b:s1+s3], $0x80, v3, vm0, $0xb8;
	[tilespmem:$0x10200] =	vst v63  }
0x15b: {  	v3 =	vld [tilespmem:$0x1E0];
	_ =	sdelay $0x4  }
0x15c: {  	v62 =	vshll.u32 v3, $0x1  }
0x15d: {  	v3 =	vand.u32 $0x7, v3;
	v4 =	vand.u32 $0xFFFFFFF0, v62  }
0x15e: {  	v3 =	vor.u32 v3, v4  }
0x15f: {  	v4 =	vperm.xlane v3, v0;
	_ =	sdelay $0x1  }
0x160: {  	v3 =	vperm.xlane v3, v2;
	v4 =	vadd.s32 v1, v4;
	_ =	sdelay $0x1  }
0x161: {  	v3 =	vadd.s32 v1, v3;
	_ =	sdelay $0x1  }
0x162: {  	s7 =	simm.s32 $0xE200  }
0x163: {  	[tilespmem:s7], [sflag:$0x2] =	stream.indirect_vreg.gather [hbm4b:s1+s3], $0x80, v4, vm0, $0xb8;
	[tilespmem:$0x10200] =	vst v63  }
0x164: {  	s16 =	simm.s32 $0xEA00  }
0x165: {  	[tilespmem:s16], [sflag:$0x2] =	stream.indirect_vreg.gather [hbm4b:s1+s3], $0x80, v3, vm0, $0xb8;
	[tilespmem:$0x10200] =	vst v63  }
0x166: {  	v3 =	vld [tilespmem:$0x1F0];
	_ =	sdelay $0x4  }
0x167: {  	v63 =	vshll.u32 v3, $0x1  }
0x168: {  	v3 =	vand.u32 $0x7, v3;
	v4 =	vand.u32 $0xFFFFFFF0, v63  }
0x169: {  	v3 =	vor.u32 v3, v4  }
0x16a: {  	v4 =	vperm.xlane v3, v0;
	_ =	sdelay $0x1  }
0x16b: {  	v3 =	vperm.xlane v3, v2;
	v4 =	vadd.s32 v1, v4;
	_ =	sdelay $0x1  }
0x16c: {  	v3 =	vadd.s32 v1, v3;
	_ =	sdelay $0x1  }
0x16d: {  	s7 =	simm.s32 $0xF200  }
0x16e: {  	[tilespmem:s7], [sflag:$0x2] =	stream.indirect_vreg.gather [hbm4b:s1+s3], $0x80, v4, vm0, $0xb8;
	[tilespmem:$0x10200] =	vst v63  }
0x16f: {  	s16 =	simm.s32 $0xFA00  }
0x170: {  	[tilespmem:s16], [sflag:$0x2] =	stream.indirect_vreg.gather [hbm4b:s1+s3], $0x80, v3, vm0, $0xb8;
	[tilespmem:$0x10200] =	vst v63  }
0x171: {  	_ =	swait.ge [sflag:s4], $0x8000  }
0x172: {  	[sflag:s4] =	ssyncset.done $0x0  }
0x173: {  	s12 =	simm.s32 $0x200;
	s7 =	rddreg [dreg:$0x6];
	[sflag:s4] =	ssyncadd.s32 $0xFFFF8000  }
0x174: {  	[hbm4b:s7+s3] =	stream.linear.scatter [tilespmem:s12], [sflag:$0x3], $0x8000, $0x38;
	[tilespmem:$0x10200] =	vst v63  }
0x175: {  	_ =	swait.ge [sflag:s6], $0x8000  }
0x176: {  	[sflag:s6] =	ssyncset.done $0x0  }
0x177: {  	[sflag:s6] =	ssyncadd.s32 $0xFFFF8000  }
0x178: {  	_ =	swait.ge [sflag:s15], $0x8000  }
0x179: {  	p0 =	sne.s32 s5, $0x1;
	[sflag:s15] =	ssyncset.done $0x0  }
.Ltmp0:
0x17a: {  	s12 =	rddreg [dreg:$0x7];
	[sflag:s15] =	ssyncadd.s32 $0xFFFF8000;
	(pc) =	sbr.rel @p0 .LBB2_1-.Ltmp0, $4  }
0x17b: {  	[hbm4b:s12+s3] =	stream.linear.scatter [tilespmem:s0], [sflag:$0x3], $0x8000, $0x38;
	[tilespmem:$0x10200] =	vst v63  }
0x17c: {  	_ =	swait.ge [sflag:s6], $0x8000  }
0x17d: {  	[sflag:s6] =	ssyncset.done $0x0  }
0x17e: {  	s5 =	sadd.s32 $0xFFFFFFFF, s5;
	[sflag:s6] =	ssyncadd.s32 $0xFFFF8000  }
0x17f: {  	_ =	sfence.sel $0x180000  }
0x180: {  	[bflag:$0x0] =	sbarrier.arrive $0xFFFF  }
0x181: {  	_ =	strace $0x90000047  }
0x182: {  	s0 =	stileid.u32;
	[bflag:$0x2] =	sbarrier.arrive $0xFFFF  }
0x183: {  	p0 =	sne.s32 s0, $0x0;
	s0 =	rddreg [dreg:$0x3]  }
0x184: {  	s0 =	sadd.s32 @!p0 $0x100000, s0  }
0x185: {  	[sflag:s0] =	ssyncadd.tile.s32 @!p0 $0x1;
	_ =	shalt  }
.Lfunc_end2:
_tile_overlayer_lowered:
.L_overlay_start_2:
0x186: {  	(tag) =	ssettag $0x2  }
0x187: {  	s0 =	rddreg [dreg:$0x0];
	s2 =	stileid.u32  }
0x188: {  	s1 =	rddreg [dreg:$0x1];
	p0 =	sne.s32 s2, $0x0  }
0x189: {  	s3 =	rddreg [dreg:$0x2];
	[bflag:$0x3] =	sbarrier.arrive $0xFFFF;
	s2 =	simm.s32 @!p0 $0x1C03  }
0x18a: {  	[timem:s3], [sflag:s2] =	dma.local @!p0 [hbm:s0], s1  }
0x18b: {  	s0 =	simm.s32 @!p0 $0x3  }
0x18c: {  	_ =	swait.ge @!p0 [sflag:s0], s1  }
0x18d: {  	s1 =	ssub.s32 @!p0 $0x0, s1;
	[sflag:s0] =	ssyncset.done @!p0 $0x0  }
0x18e: {  	[sflag:s0] =	ssyncadd.s32 @!p0 s1  }
0x18f: {  	[bflag:$0x3] =	sbarrier.arrive $0xFFFF  }
0x190: {  	_ =	shalt  }

</sc_bundles>
